<compile_context>
chip_gen: v7x
topology: tpu7x:2x2x1
jax: 0.10.2.dev20260603
libtpu: 0.0.44.dev20260713+nightly
codegen_flags: <defaults>
</compile_context>

<pallas_src>
import functools

import jax
import jax.numpy as jnp
from jax import lax
from jax.experimental import pallas as pl
from jax.experimental.pallas import tpu as pltpu
from jax.experimental.pallas import tpu_sc as plsc

_D = 128
_NUM_LAYERS = 2
_EPS = 1e-16
_NC = 2
_NS = 16
_NW = _NC * _NS
_CHUNK = 80


def _dot(a, b):
    return jnp.dot(a, b, preferred_element_type=jnp.float32)


def _resid_h(xw0, b0, r1, rb1, r2, rb2):
    h = jnp.maximum(xw0 + b0, 0.0)
    r = jnp.maximum(_dot(h, r1) + rb1, 0.0)
    r = _dot(r, r2) + rb2
    return h + r


def _mlp_kernel(x_ref, w0, b0, r1, rb1, r2, rb2, wo, bo, o_ref):
    h = _resid_h(_dot(x_ref[...], w0[...]), b0[...], r1[...], rb1[...],
                 r2[...], rb2[...])
    o_ref[...] = _dot(h, wo[...]) + bo[...]


def _full_spec(a):
    return pl.BlockSpec(a.shape, lambda i: tuple(0 for _ in a.shape))


def _mlp_forward(x, p, block):
    n, ind = x.shape
    odim = p['Wo'].shape[1]
    args = (x, p['W0'], p['b0'].reshape(1, -1), p['R1'],
            p['rb1'].reshape(1, -1), p['R2'], p['rb2'].reshape(1, -1),
            p['Wo'], p['bo'].reshape(1, -1))
    in_specs = [pl.BlockSpec((block, ind), lambda i: (i, 0))]
    in_specs += [_full_spec(a) for a in args[1:]]
    return pl.pallas_call(
        _mlp_kernel,
        grid=(n // block,),
        in_specs=in_specs,
        out_specs=pl.BlockSpec((block, odim), lambda i: (i, 0)),
        out_shape=jax.ShapeDtypeStruct((n, odim), jnp.float32),
    )(*args)


def _edge_kernel(nj_ref, el_ref, w0a, w0b, b0, r1, rb1, r2, rb2, wo, bo,
                 wa, ba, scaled_ref, e16_ref):
    xw0 = _dot(nj_ref[...], w0a[...]) + _dot(el_ref[...], w0b[...])
    h = _resid_h(xw0, b0[...], r1[...], rb1[...], r2[...], rb2[...])
    nel = _dot(h, wo[...]) + bo[...]
    score = jnp.maximum(
        jnp.sum(nel * wa[...], axis=1, keepdims=True) + ba[...], 0.0)
    e = jnp.exp(score)
    scaled_ref[...] = nel * e
    e16_ref[...] = jnp.broadcast_to(e, e16_ref.shape)


def _edge_forward(node_j, edge_latents, lp, block):
    ne = node_j.shape[0]
    ep = lp['edge_proc']
    args = (node_j, edge_latents,
            ep['W0'][:_D], ep['W0'][_D:], ep['b0'].reshape(1, -1),
            ep['R1'], ep['rb1'].reshape(1, -1),
            ep['R2'], ep['rb2'].reshape(1, -1),
            ep['Wo'], ep['bo'].reshape(1, -1),
            lp['Wa'].reshape(1, -1), lp['ba'].reshape(1, 1))
    in_specs = [pl.BlockSpec((block, _D), lambda i: (i, 0)),
                pl.BlockSpec((block, _D), lambda i: (i, 0))]
    in_specs += [_full_spec(a) for a in args[2:]]
    return pl.pallas_call(
        _edge_kernel,
        grid=(ne // block,),
        in_specs=in_specs,
        out_specs=(pl.BlockSpec((block, _D), lambda i: (i, 0)),
                   pl.BlockSpec((block, 16), lambda i: (i, 0))),
        out_shape=(jax.ShapeDtypeStruct((ne, _D), jnp.float32),
                   jax.ShapeDtypeStruct((ne, 16), jnp.float32)),
    )(*args)


def _node_kernel(nl_ref, a0, a1, s0, s1, w0a, w0b, b0, r1, rb1, r2, rb2,
                 wo, bo, o_ref):
    s = s0[...][:, :1] + s1[...][:, :1]
    agg = (a0[...] + a1[...]) / (s + _EPS)
    nl = nl_ref[...]
    xw0 = _dot(nl, w0a[...]) + _dot(agg, w0b[...])
    h = _resid_h(xw0, b0[...], r1[...], rb1[...], r2[...], rb2[...])
    o_ref[...] = nl + _dot(h, wo[...]) + bo[...]


def _node_forward(node_latents, agg0, agg1, s0, s1, lp, block):
    n = node_latents.shape[0]
    np_ = lp['node_proc']
    args = (node_latents, agg0, agg1, s0, s1,
            np_['W0'][:_D], np_['W0'][_D:], np_['b0'].reshape(1, -1),
            np_['R1'], np_['rb1'].reshape(1, -1),
            np_['R2'], np_['rb2'].reshape(1, -1),
            np_['Wo'], np_['bo'].reshape(1, -1))
    in_specs = [pl.BlockSpec((block, _D), lambda i: (i, 0)),
                pl.BlockSpec((block, _D), lambda i: (i, 0)),
                pl.BlockSpec((block, _D), lambda i: (i, 0)),
                pl.BlockSpec((block, 16), lambda i: (i, 0)),
                pl.BlockSpec((block, 16), lambda i: (i, 0))]
    in_specs += [_full_spec(a) for a in args[5:]]
    return pl.pallas_call(
        _node_kernel,
        grid=(n // block,),
        in_specs=in_specs,
        out_specs=pl.BlockSpec((block, _D), lambda i: (i, 0)),
        out_shape=jax.ShapeDtypeStruct((n, _D), jnp.float32),
    )(*args)


def _sc_mesh():
    return plsc.VectorSubcoreMesh(core_axis_name="c", subcore_axis_name="s")


def _sc_gather(table, idx):
    e = idx.shape[0]
    d = table.shape[1]
    ept = e // _NW

    @functools.partial(
        pl.kernel,
        mesh=_sc_mesh(),
        out_type=jax.ShapeDtypeStruct((e, d), jnp.float32),
        scratch_types=[
            pltpu.VMEM((_CHUNK,), jnp.int32),
            pltpu.VMEM((_CHUNK, d), jnp.float32),
            pltpu.SemaphoreType.DMA,
        ],
    )
    def k(table_hbm, idx_hbm, out_hbm, idx_v, rows_v, sem):
        wid = lax.axis_index("s") * _NC + lax.axis_index("c")
        base = wid * ept

        def body(i, carry):
            off = base + i * _CHUNK
            pltpu.sync_copy(idx_hbm.at[pl.ds(off, _CHUNK)], idx_v)
            pltpu.async_copy(table_hbm.at[idx_v], rows_v, sem).wait()
            pltpu.sync_copy(rows_v, out_hbm.at[pl.ds(off, _CHUNK)])
            return carry

        lax.fori_loop(0, ept // _CHUNK, body, 0)

    return k(table, idx)


def _sc_scatter(scaled, e16, dst, n):
    e = scaled.shape[0]
    ept = e // _NW
    n_pad = ((n + 8 * _NS - 1) // (8 * _NS)) * (8 * _NS)
    rpt = n_pad // _NS
    z_a = jnp.zeros((_CHUNK, _D), jnp.float32)
    z_s = jnp.zeros((_CHUNK, 16), jnp.float32)

    @functools.partial(
        pl.kernel,
        mesh=_sc_mesh(),
        out_type=(jax.ShapeDtypeStruct((_NC * n_pad, _D), jnp.float32),
                  jax.ShapeDtypeStruct((_NC * n_pad, 16), jnp.float32)),
        scratch_types=[
            pltpu.VMEM((_CHUNK,), jnp.int32),
            pltpu.VMEM((_CHUNK,), jnp.int32),
            pltpu.VMEM((_CHUNK, _D), jnp.float32),
            pltpu.VMEM((_CHUNK, 16), jnp.float32),
            pltpu.VMEM_SHARED((n_pad, _D), jnp.float32),
            pltpu.VMEM_SHARED((n_pad, 16), jnp.float32),
        ],
    )
    def k(scaled_hbm, e16_hbm, dst_hbm, za_hbm, zs_hbm, agg_hbm, s_hbm,
          idx_v, lin_v, rows_v, erows_v, sh_a, sh_s):
        c = lax.axis_index("c")
        s = lax.axis_index("s")
        wid = s * _NC + c
        t0 = s * rpt
        lane = jnp.arange(16, dtype=jnp.int32)

        def set_lin(r0):
            for q in range(_CHUNK // 16):
                lin_v[pl.ds(q * 16, 16)] = lane + (r0 + q * 16)

        pltpu.sync_copy(za_hbm, rows_v)
        pltpu.sync_copy(zs_hbm, erows_v)

        def zbody(j, carry):
            set_lin(t0 + j * _CHUNK)
            pltpu.sync_copy(rows_v, sh_a.at[lin_v])
            pltpu.sync_copy(erows_v, sh_s.at[lin_v])
            return carry

        lax.fori_loop(0, rpt // _CHUNK, zbody, 0)
        plsc.subcore_barrier()
        base = wid * ept

        def body(i, carry):
            off = base + i * _CHUNK
            pltpu.sync_copy(dst_hbm.at[pl.ds(off, _CHUNK)], idx_v)
            pltpu.sync_copy(scaled_hbm.at[pl.ds(off, _CHUNK)], rows_v)
            pltpu.sync_copy(e16_hbm.at[pl.ds(off, _CHUNK)], erows_v)
            pltpu.sync_copy(rows_v, sh_a.at[idx_v], add=True)
            pltpu.sync_copy(erows_v, sh_s.at[idx_v], add=True)
            return carry

        lax.fori_loop(0, ept // _CHUNK, body, 0)
        plsc.subcore_barrier()
        o0 = c * n_pad + t0

        def obody(j, carry):
            set_lin(t0 + j * _CHUNK)
            w0 = o0 + j * _CHUNK
            pltpu.sync_copy(sh_a.at[lin_v], rows_v)
            pltpu.sync_copy(rows_v, agg_hbm.at[pl.ds(w0, _CHUNK)])
            pltpu.sync_copy(sh_s.at[lin_v], erows_v)
            pltpu.sync_copy(erows_v, s_hbm.at[pl.ds(w0, _CHUNK)])
            return carry

        lax.fori_loop(0, rpt // _CHUNK, obody, 0)

    agg_p, s_p = k(scaled, e16, dst, z_a, z_s)
    agg_p = agg_p.reshape(_NC, n_pad, _D)
    s_p = s_p.reshape(_NC, n_pad, 16)
    return agg_p[:, :n], s_p[:, :n]


def _forward(x, edge_index, edge_attr, params, edge_block, node_block):
    n = x.shape[0]
    src = edge_index[0]
    dst = edge_index[1]
    node_latents = _mlp_forward(x, params['node_enc'], node_block)
    edge_latents = _mlp_forward(edge_attr, params['edge_enc'], edge_block)
    for l in range(_NUM_LAYERS):
        lp = params['proc%d' % l]
        node_j = _sc_gather(node_latents, src)
        scaled, e16 = _edge_forward(node_j, edge_latents, lp, edge_block)
        agg_p, s_p = _sc_scatter(scaled, e16, dst, n)
        node_latents = _node_forward(node_latents, agg_p[0], agg_p[1],
                                     s_p[0], s_p[1], lp, node_block)
    dec = dict(params['decoder'])
    odim = dec['Wo'].shape[1]
    dec['Wo'] = jnp.zeros((_D, _D), jnp.float32).at[:, :odim].set(dec['Wo'])
    dec['bo'] = jnp.zeros((_D,), jnp.float32).at[:odim].set(dec['bo'])
    out = _mlp_forward(node_latents, dec, node_block)
    return out[:, :odim]


def kernel(x, edge_index, edge_attr, params):
    return _forward(x, edge_index, edge_attr, params,
                    edge_block=2000, node_block=2000)

# --- scband reference (transcript-rebuilt; emitter-appended) ---
"""Pipeline reference for scband-custom-graph-net-51874615001141 (READ-ONLY COPY).

The authoritative reference and input builder live on the scoring server;
editing this copy changes nothing except your own understanding.
"""

import jax, jax.numpy as jnp
import numpy as np

D = 128
N_NODES = 10000
N_EDGES = 320000
D_EDGE = 16
OUT_DIM = 3
N_LAYERS = 2


def _mlp_params(key, in_dim, out_dim, d=D):
    ks = jax.random.split(key, 4)
    s = lambda k, shp: (jax.random.normal(k, shp, dtype=jnp.float32) * 0.02)
    return {
        'W0': s(ks[0], (in_dim, d)), 'b0': jnp.zeros((d,), jnp.float32),
        'R1': s(ks[1], (d, d)), 'rb1': jnp.zeros((d,), jnp.float32),
        'R2': s(ks[2], (d, d)), 'rb2': jnp.zeros((d,), jnp.float32),
        'Wo': s(ks[3], (d, out_dim)), 'bo': jnp.zeros((out_dim,), jnp.float32),
    }


def _fwdnet(x, p):
    # BasicBlock (Linear + relu), one ResidualBlock (skip), output Linear
    h = jax.nn.relu(x @ p['W0'] + p['b0'])
    r = jax.nn.relu(h @ p['R1'] + p['rb1']) @ p['R2'] + p['rb2']
    h = h + r
    return h @ p['Wo'] + p['bo']


def _segment_softmax(scores, idx, n):
    m = jax.ops.segment_max(scores, idx, num_segments=n)
    e = jnp.exp(scores - m[idx])
    s = jax.ops.segment_sum(e, idx, num_segments=n)
    return e / (s[idx] + 1e-16)


def setup_inputs(seed: int = 0) -> dict:
    key = jax.random.key(seed)
    k_x, k_ei, k_ea, k_p = jax.random.split(key, 4)
    x = jax.random.normal(k_x, (N_NODES, D), dtype=jnp.float32)
    edge_index = jax.random.randint(k_ei, (2, N_EDGES), 0, N_NODES, dtype=jnp.int64) if jax.config.jax_enable_x64 else jax.random.randint(k_ei, (2, N_EDGES), 0, N_NODES).astype(jnp.int32)
    edge_attr = jax.random.normal(k_ea, (N_EDGES, D_EDGE), dtype=jnp.float32)
    pks = jax.random.split(k_p, 4 + 3 * N_LAYERS)
    params = {
        'node_enc': _mlp_params(pks[0], D, D),
        'edge_enc': _mlp_params(pks[1], D_EDGE, D),
        'decoder': _mlp_params(pks[2], D, OUT_DIM),
    }
    for l in range(N_LAYERS):
        ka, kb, kc = pks[3 + 3 * l], pks[4 + 3 * l], pks[5 + 3 * l]
        params['proc%d' % l] = {
            'edge_proc': _mlp_params(ka, 2 * D, D),
            'node_proc': _mlp_params(kb, 2 * D, D),
            'Wa': jax.random.normal(kc, (D, 1), dtype=jnp.float32) * 0.02,
            'ba': jnp.zeros((1,), jnp.float32),
        }
    return {'x': x, 'edge_index': edge_index, 'edge_attr': edge_attr, 'params': params}


def reference(x, edge_index, edge_attr, params):
    n = x.shape[0]
    src = edge_index[0]
    dst = edge_index[1]
    node_latents = _fwdnet(x, params['node_enc'])
    edge_latents = _fwdnet(edge_attr, params['edge_enc'])
    for l in range(N_LAYERS):
        lp = params['proc%d' % l]
        node_j = node_latents[src]
        edge_inputs = jnp.concatenate([node_j, edge_latents], axis=-1)
        new_edge_latents = _fwdnet(edge_inputs, lp['edge_proc'])
        score = jax.nn.relu(new_edge_latents @ lp['Wa'] + lp['ba'])[:, 0]
        alpha = _segment_softmax(score, dst, n)[:, None]
        agg = jax.ops.segment_sum(alpha * new_edge_latents, dst, num_segments=n)
        node_inputs = jnp.concatenate([node_latents, agg], axis=-1)
        node_latents = node_latents + _fwdnet(node_inputs, lp['node_proc'])
    out = _fwdnet(node_latents, params['decoder'])
    return out

if __name__ == "__main__":
    import jax
    _d = setup_inputs()
    print(jax.jit(kernel)(*tuple(_d.values())))

</pallas_src>

<mosaic_0001>
#map = affine_map<(d0, d1) -> (0, 0)>
#map1 = affine_map<(d0, d1) -> (0)>
module attributes {stable_mosaic.version = 14 : i64} {
  func.func @k(%arg0: i32, %arg1: i32, %arg2: memref<10000x128xf32, #tpu.memory_space<hbm>>, %arg3: memref<320000xi32, #tpu.memory_space<hbm>>, %arg4: memref<320000x128xf32, #tpu.memory_space<hbm>>, %arg5: memref<80xi32, #tpu.memory_space<vmem>>, %arg6: memref<80x128xf32, #tpu.memory_space<vmem>>, %arg7: memref<!tpu.dma_semaphore, #tpu.memory_space<semaphore_mem>>) attributes {dimension_semantics = [#tpu.dimension_semantics<core_parallel>, #tpu.dimension_semantics<subcore_parallel>], iteration_bounds = array<i64: 2, 16>, scalar_prefetch = 0 : i64, scratch_operands = 3 : i64, tpu.core_type = #tpu.core_type<sc_vector_subcore>, window_params = [{transform_indices = #map}, {transform_indices = #map1}, {transform_indices = #map}]} {
    %mul3A = arith.constant 2 : i32
    %mul3A_0 = arith.muli %arg1, %mul3A : i32
    %add3A = arith.addi %mul3A_0, %arg0 : i32
    %mul3A_1 = arith.constant 10000 : i32
    %mul3A_2 = arith.muli %add3A, %mul3A_1 : i32
    %scan3A = arith.constant 0 : i32
    %scan3A_3 = arith.constant 0 : i32
    %scan3A_4 = arith.constant 125 : i32
    %scan3A_5 = arith.addi %scan3A_3, %scan3A_4 : i32
    %scan3A_6 = arith.constant 1 : i32
    scf.for %scan3A_8 = %scan3A_3 to %scan3A_5 step %scan3A_6  : i32 {
      %mul3A_9 = arith.constant 80 : i32
      %mul3A_10 = arith.muli %scan3A_8, %mul3A_9 : i32
      %add3A_11 = arith.addi %mul3A_2, %mul3A_10 : i32
      "tpu.region"() ({
        %run_scoped3A = tpu.sem_alloc : memref<!tpu.dma_semaphore, #tpu.memory_space<semaphore_mem>>
        %dma_start3A_16 = tpu.memref_slice %arg3[%add3A_11] : memref<320000xi32, #tpu.memory_space<hbm>> -> memref<80xi32, #tpu.memory_space<hbm>>
        %dma_start3A_17 = tpu.memref_slice %arg3[%add3A_11] : memref<320000xi32, #tpu.memory_space<hbm>> -> memref<80xi32, #tpu.memory_space<hbm>>
        tpu.enqueue_dma source(%dma_start3A_17 : memref<80xi32, #tpu.memory_space<hbm>>) target(%arg5 : memref<80xi32, #tpu.memory_space<vmem>>) target_semaphore(%run_scoped3A : memref<!tpu.dma_semaphore, #tpu.memory_space<semaphore_mem>>)
        %dma_wait3A_18 = tpu.memref_slice %arg3[%add3A_11] : memref<320000xi32, #tpu.memory_space<hbm>> -> memref<80xi32, #tpu.memory_space<hbm>>
        %dma_wait3A_19 = tpu.memref_slice %arg3[%add3A_11] : memref<320000xi32, #tpu.memory_space<hbm>> -> memref<80xi32, #tpu.memory_space<hbm>>
        tpu.wait_dma2 semaphore(%run_scoped3A : memref<!tpu.dma_semaphore, #tpu.memory_space<semaphore_mem>>) src(%dma_wait3A_19 : memref<80xi32, #tpu.memory_space<hbm>>) dst(%arg5 : memref<80xi32, #tpu.memory_space<vmem>>)
        tpu.yield
      }) : () -> ()
      %dma_start3A = arith.constant 0 : i32
      %dma_start3A_12 = arith.constant 0 : i32
      %dma_start3A_13 = tpu.memref_slice %arg2[%dma_start3A, %dma_start3A_12] : memref<10000x128xf32, #tpu.memory_space<hbm>> -> memref<10000x128xf32, #tpu.memory_space<hbm>>
      tpu.enqueue_indirect_dma source(%dma_start3A_13 : memref<10000x128xf32, #tpu.memory_space<hbm>>) target(%arg6 : memref<80x128xf32, #tpu.memory_space<vmem>>) offsets(%arg5 : memref<80xi32, #tpu.memory_space<vmem>>) semaphore(%arg7 : memref<!tpu.dma_semaphore, #tpu.memory_space<semaphore_mem>>)
      %dma_wait3A = arith.constant 0 : i32
      %dma_wait3A_14 = arith.constant 0 : i32
      %dma_wait3A_15 = tpu.memref_slice %arg2[%dma_wait3A, %dma_wait3A_14] : memref<10000x128xf32, #tpu.memory_space<hbm>> -> memref<10000x128xf32, #tpu.memory_space<hbm>>
      tpu.wait_indirect_dma semaphore(%arg7 : memref<!tpu.dma_semaphore, #tpu.memory_space<semaphore_mem>>) src(%dma_wait3A_15 : memref<10000x128xf32, #tpu.memory_space<hbm>>) dst(%arg6 : memref<80x128xf32, #tpu.memory_space<vmem>>)
      "tpu.region"() ({
        %run_scoped3A = tpu.sem_alloc : memref<!tpu.dma_semaphore, #tpu.memory_space<semaphore_mem>>
        %dma_start3A_16 = arith.constant 0 : i32
        %dma_start3A_17 = tpu.memref_slice %arg4[%add3A_11, %dma_start3A_16] : memref<320000x128xf32, #tpu.memory_space<hbm>> -> memref<80x128xf32, #tpu.memory_space<hbm>>
        %dma_start3A_18 = arith.constant 0 : i32
        %dma_start3A_19 = tpu.memref_slice %arg4[%add3A_11, %dma_start3A_18] : memref<320000x128xf32, #tpu.memory_space<hbm>> -> memref<80x128xf32, #tpu.memory_space<hbm>>
        tpu.enqueue_dma source(%arg6 : memref<80x128xf32, #tpu.memory_space<vmem>>) target(%dma_start3A_19 : memref<80x128xf32, #tpu.memory_space<hbm>>) target_semaphore(%run_scoped3A : memref<!tpu.dma_semaphore, #tpu.memory_space<semaphore_mem>>)
        %dma_wait3A_20 = arith.constant 0 : i32
        %dma_wait3A_21 = tpu.memref_slice %arg4[%add3A_11, %dma_wait3A_20] : memref<320000x128xf32, #tpu.memory_space<hbm>> -> memref<80x128xf32, #tpu.memory_space<hbm>>
        %dma_wait3A_22 = arith.constant 0 : i32
        %dma_wait3A_23 = tpu.memref_slice %arg4[%add3A_11, %dma_wait3A_22] : memref<320000x128xf32, #tpu.memory_space<hbm>> -> memref<80x128xf32, #tpu.memory_space<hbm>>
        tpu.wait_dma2 semaphore(%run_scoped3A : memref<!tpu.dma_semaphore, #tpu.memory_space<semaphore_mem>>) src(%arg6 : memref<80x128xf32, #tpu.memory_space<vmem>>) dst(%dma_wait3A_23 : memref<80x128xf32, #tpu.memory_space<hbm>>)
        tpu.yield
      }) : () -> ()
    }
    %scan3A_7 = arith.constant 125 : i32
    return
  }
}

#map = affine_map<(d0, d1) -> (0, 0)>
#map1 = affine_map<(d0, d1) -> (0)>
module attributes {stable_mosaic.version = 14 : i64} {
  func.func @k(%arg0: i32, %arg1: i32, %arg2: memref<10000x128xf32, #tpu.memory_space<hbm>>, %arg3: memref<320000xi32, #tpu.memory_space<hbm>>, %arg4: memref<320000x128xf32, #tpu.memory_space<hbm>>, %arg5: memref<80xi32, #tpu.memory_space<vmem>>, %arg6: memref<80x128xf32, #tpu.memory_space<vmem>>, %arg7: memref<!tpu.dma_semaphore, #tpu.memory_space<semaphore_mem>>) attributes {dimension_semantics = [#tpu.dimension_semantics<core_parallel>, #tpu.dimension_semantics<subcore_parallel>], iteration_bounds = array<i64: 2, 16>, scalar_prefetch = 0 : i64, scratch_operands = 3 : i64, tpu.core_type = #tpu.core_type<sc_vector_subcore>, window_params = [{transform_indices = #map}, {transform_indices = #map1}, {transform_indices = #map}]} {
    %mul3A = arith.constant 2 : i32
    %mul3A_0 = arith.muli %arg1, %mul3A : i32
    %add3A = arith.addi %mul3A_0, %arg0 : i32
    %mul3A_1 = arith.constant 10000 : i32
    %mul3A_2 = arith.muli %add3A, %mul3A_1 : i32
    %scan3A = arith.constant 0 : i32
    %scan3A_3 = arith.constant 0 : i32
    %scan3A_4 = arith.constant 125 : i32
    %scan3A_5 = arith.addi %scan3A_3, %scan3A_4 : i32
    %scan3A_6 = arith.constant 1 : i32
    scf.for %scan3A_8 = %scan3A_3 to %scan3A_5 step %scan3A_6  : i32 {
      %mul3A_9 = arith.constant 80 : i32
      %mul3A_10 = arith.muli %scan3A_8, %mul3A_9 : i32
      %add3A_11 = arith.addi %mul3A_2, %mul3A_10 : i32
      "tpu.region"() ({
        %run_scoped3A = tpu.sem_alloc : memref<!tpu.dma_semaphore, #tpu.memory_space<semaphore_mem>>
        %dma_start3A_16 = tpu.memref_slice %arg3[%add3A_11] : memref<320000xi32, #tpu.memory_space<hbm>> -> memref<80xi32, #tpu.memory_space<hbm>>
        %dma_start3A_17 = tpu.memref_slice %arg3[%add3A_11] : memref<320000xi32, #tpu.memory_space<hbm>> -> memref<80xi32, #tpu.memory_space<hbm>>
        tpu.enqueue_dma source(%dma_start3A_17 : memref<80xi32, #tpu.memory_space<hbm>>) target(%arg5 : memref<80xi32, #tpu.memory_space<vmem>>) target_semaphore(%run_scoped3A : memref<!tpu.dma_semaphore, #tpu.memory_space<semaphore_mem>>)
        %dma_wait3A_18 = tpu.memref_slice %arg3[%add3A_11] : memref<320000xi32, #tpu.memory_space<hbm>> -> memref<80xi32, #tpu.memory_space<hbm>>
        %dma_wait3A_19 = tpu.memref_slice %arg3[%add3A_11] : memref<320000xi32, #tpu.memory_space<hbm>> -> memref<80xi32, #tpu.memory_space<hbm>>
        tpu.wait_dma2 semaphore(%run_scoped3A : memref<!tpu.dma_semaphore, #tpu.memory_space<semaphore_mem>>) src(%dma_wait3A_19 : memref<80xi32, #tpu.memory_space<hbm>>) dst(%arg5 : memref<80xi32, #tpu.memory_space<vmem>>)
        tpu.yield
      }) : () -> ()
      %dma_start3A = arith.constant 0 : i32
      %dma_start3A_12 = arith.constant 0 : i32
      %dma_start3A_13 = tpu.memref_slice %arg2[%dma_start3A, %dma_start3A_12] : memref<10000x128xf32, #tpu.memory_space<hbm>> -> memref<10000x128xf32, #tpu.memory_space<hbm>>
      tpu.enqueue_indirect_dma source(%dma_start3A_13 : memref<10000x128xf32, #tpu.memory_space<hbm>>) target(%arg6 : memref<80x128xf32, #tpu.memory_space<vmem>>) offsets(%arg5 : memref<80xi32, #tpu.memory_space<vmem>>) semaphore(%arg7 : memref<!tpu.dma_semaphore, #tpu.memory_space<semaphore_mem>>)
      %dma_wait3A = arith.constant 0 : i32
      %dma_wait3A_14 = arith.constant 0 : i32
      %dma_wait3A_15 = tpu.memref_slice %arg2[%dma_wait3A, %dma_wait3A_14] : memref<10000x128xf32, #tpu.memory_space<hbm>> -> memref<10000x128xf32, #tpu.memory_space<hbm>>
      tpu.wait_indirect_dma semaphore(%arg7 : memref<!tpu.dma_semaphore, #tpu.memory_space<semaphore_mem>>) src(%dma_wait3A_15 : memref<10000x128xf32, #tpu.memory_space<hbm>>) dst(%arg6 : memref<80x128xf32, #tpu.memory_space<vmem>>)
      "tpu.region"() ({
        %run_scoped3A = tpu.sem_alloc : memref<!tpu.dma_semaphore, #tpu.memory_space<semaphore_mem>>
        %dma_start3A_16 = arith.constant 0 : i32
        %dma_start3A_17 = tpu.memref_slice %arg4[%add3A_11, %dma_start3A_16] : memref<320000x128xf32, #tpu.memory_space<hbm>> -> memref<80x128xf32, #tpu.memory_space<hbm>>
        %dma_start3A_18 = arith.constant 0 : i32
        %dma_start3A_19 = tpu.memref_slice %arg4[%add3A_11, %dma_start3A_18] : memref<320000x128xf32, #tpu.memory_space<hbm>> -> memref<80x128xf32, #tpu.memory_space<hbm>>
        tpu.enqueue_dma source(%arg6 : memref<80x128xf32, #tpu.memory_space<vmem>>) target(%dma_start3A_19 : memref<80x128xf32, #tpu.memory_space<hbm>>) target_semaphore(%run_scoped3A : memref<!tpu.dma_semaphore, #tpu.memory_space<semaphore_mem>>)
        %dma_wait3A_20 = arith.constant 0 : i32
        %dma_wait3A_21 = tpu.memref_slice %arg4[%add3A_11, %dma_wait3A_20] : memref<320000x128xf32, #tpu.memory_space<hbm>> -> memref<80x128xf32, #tpu.memory_space<hbm>>
        %dma_wait3A_22 = arith.constant 0 : i32
        %dma_wait3A_23 = tpu.memref_slice %arg4[%add3A_11, %dma_wait3A_22] : memref<320000x128xf32, #tpu.memory_space<hbm>> -> memref<80x128xf32, #tpu.memory_space<hbm>>
        tpu.wait_dma2 semaphore(%run_scoped3A : memref<!tpu.dma_semaphore, #tpu.memory_space<semaphore_mem>>) src(%arg6 : memref<80x128xf32, #tpu.memory_space<vmem>>) dst(%dma_wait3A_23 : memref<80x128xf32, #tpu.memory_space<hbm>>)
        tpu.yield
      }) : () -> ()
    }
    %scan3A_7 = arith.constant 125 : i32
    return
  }
}

#map = affine_map<(d0, d1) -> (0, 0)>
#map1 = affine_map<(d0, d1) -> (0)>
module attributes {stable_mosaic.version = 14 : i64} {
  func.func @k(%arg0: i32, %arg1: i32, %arg2: memref<320000x128xf32, #tpu.memory_space<hbm>>, %arg3: memref<320000x16xf32, #tpu.memory_space<hbm>>, %arg4: memref<320000xi32, #tpu.memory_space<hbm>>, %arg5: memref<80x128xf32, #tpu.memory_space<hbm>>, %arg6: memref<80x16xf32, #tpu.memory_space<hbm>>, %arg7: memref<20224x128xf32, #tpu.memory_space<hbm>>, %arg8: memref<20224x16xf32, #tpu.memory_space<hbm>>, %arg9: memref<80xi32, #tpu.memory_space<vmem>>, %arg10: memref<80xi32, #tpu.memory_space<vmem>>, %arg11: memref<80x128xf32, #tpu.memory_space<vmem>>, %arg12: memref<80x16xf32, #tpu.memory_space<vmem>>, %arg13: memref<10112x128xf32, #tpu.memory_space<vmem_shared>>, %arg14: memref<10112x16xf32, #tpu.memory_space<vmem_shared>>) attributes {dimension_semantics = [#tpu.dimension_semantics<core_parallel>, #tpu.dimension_semantics<subcore_parallel>], iteration_bounds = array<i64: 2, 16>, scalar_prefetch = 0 : i64, scratch_operands = 6 : i64, tpu.core_type = #tpu.core_type<sc_vector_subcore>, window_params = [{transform_indices = #map}, {transform_indices = #map}, {transform_indices = #map1}, {transform_indices = #map}, {transform_indices = #map}, {transform_indices = #map}, {transform_indices = #map}]} {
    %mul3A = arith.constant 2 : i32
    %mul3A_0 = arith.muli %arg1, %mul3A : i32
    %add3A = arith.addi %mul3A_0, %arg0 : i32
    %mul3A_1 = arith.constant 632 : i32
    %mul3A_2 = arith.muli %arg1, %mul3A_1 : i32
    %iota3A = tpu.iota {dimensions = array<i32: 0>} : vector<16xi32>
    "tpu.region"() ({
      %run_scoped3A = tpu.sem_alloc : memref<!tpu.dma_semaphore, #tpu.memory_space<semaphore_mem>>
      tpu.enqueue_dma source(%arg5 : memref<80x128xf32, #tpu.memory_space<hbm>>) target(%arg11 : memref<80x128xf32, #tpu.memory_space<vmem>>) target_semaphore(%run_scoped3A : memref<!tpu.dma_semaphore, #tpu.memory_space<semaphore_mem>>)
      tpu.wait_dma2 semaphore(%run_scoped3A : memref<!tpu.dma_semaphore, #tpu.memory_space<semaphore_mem>>) src(%arg5 : memref<80x128xf32, #tpu.memory_space<hbm>>) dst(%arg11 : memref<80x128xf32, #tpu.memory_space<vmem>>)
      tpu.yield
    }) : () -> ()
    "tpu.region"() ({
      %run_scoped3A = tpu.sem_alloc : memref<!tpu.dma_semaphore, #tpu.memory_space<semaphore_mem>>
      tpu.enqueue_dma source(%arg6 : memref<80x16xf32, #tpu.memory_space<hbm>>) target(%arg12 : memref<80x16xf32, #tpu.memory_space<vmem>>) target_semaphore(%run_scoped3A : memref<!tpu.dma_semaphore, #tpu.memory_space<semaphore_mem>>)
      tpu.wait_dma2 semaphore(%run_scoped3A : memref<!tpu.dma_semaphore, #tpu.memory_space<semaphore_mem>>) src(%arg6 : memref<80x16xf32, #tpu.memory_space<hbm>>) dst(%arg12 : memref<80x16xf32, #tpu.memory_space<vmem>>)
      tpu.yield
    }) : () -> ()
    %scan3A = arith.constant 0 : i32
    %scan3A_3 = arith.constant 0 : i32
    %scan3A_4 = arith.constant 7 : i32
    %scan3A_5 = arith.addi %scan3A_3, %scan3A_4 : i32
    %scan3A_6 = arith.constant 1 : i32
    scf.for %scan3A_26 = %scan3A_3 to %scan3A_5 step %scan3A_6  : i32 {
      %mul3A_27 = arith.constant 80 : i32
      %mul3A_28 = arith.muli %scan3A_26, %mul3A_27 : i32
      %add3A_29 = arith.addi %mul3A_2, %mul3A_28 : i32
      %add3A_30 = arith.constant 0 : i32
      %add3A_31 = arith.addi %add3A_29, %add3A_30 : i32
      %add3A_32 = vector.broadcast %add3A_31 : i32 to vector<16xi32>
      %add3A_33 = arith.addi %iota3A, %add3A_32 : vector<16xi32>
      %swap3A = arith.constant 0 : index
      %swap3A_34 = tpu.vector_load %arg10[%swap3A] {strides = array<i32>} : memref<80xi32, #tpu.memory_space<vmem>>, vector<16xi32>,
      %swap3A_35 = vector.shape_cast %swap3A_34 : vector<16xi32> to vector<16xi32>
      %swap3A_36 = vector.shape_cast %add3A_33 : vector<16xi32> to vector<16xi32>
      tpu.vector_store %arg10[%swap3A], %swap3A_36 {strides = array<i32>} : memref<80xi32, #tpu.memory_space<vmem>>, vector<16xi32>,
      %add3A_37 = arith.constant 16 : i32
      %add3A_38 = arith.addi %add3A_29, %add3A_37 : i32
      %add3A_39 = vector.broadcast %add3A_38 : i32 to vector<16xi32>
      %add3A_40 = arith.addi %iota3A, %add3A_39 : vector<16xi32>
      %swap3A_41 = arith.constant 16 : index
      %swap3A_42 = tpu.vector_load %arg10[%swap3A_41] {strides = array<i32>} : memref<80xi32, #tpu.memory_space<vmem>>, vector<16xi32>,
      %swap3A_43 = vector.shape_cast %swap3A_42 : vector<16xi32> to vector<16xi32>
      %swap3A_44 = vector.shape_cast %add3A_40 : vector<16xi32> to vector<16xi32>
      tpu.vector_store %arg10[%swap3A_41], %swap3A_44 {strides = array<i32>} : memref<80xi32, #tpu.memory_space<vmem>>, vector<16xi32>,
      %add3A_45 = arith.constant 32 : i32
      %add3A_46 = arith.addi %add3A_29, %add3A_45 : i32
      %add3A_47 = vector.broadcast %add3A_46 : i32 to vector<16xi32>
      %add3A_48 = arith.addi %iota3A, %add3A_47 : vector<16xi32>
      %swap3A_49 = arith.constant 32 : index
      %swap3A_50 = tpu.vector_load %arg10[%swap3A_49] {strides = array<i32>} : memref<80xi32, #tpu.memory_space<vmem>>, vector<16xi32>,
      %swap3A_51 = vector.shape_cast %swap3A_50 : vector<16xi32> to vector<16xi32>
      %swap3A_52 = vector.shape_cast %add3A_48 : vector<16xi32> to vector<16xi32>
      tpu.vector_store %arg10[%swap3A_49], %swap3A_52 {strides = array<i32>} : memref<80xi32, #tpu.memory_space<vmem>>, vector<16xi32>,
      %add3A_53 = arith.constant 48 : i32
      %add3A_54 = arith.addi %add3A_29, %add3A_53 : i32
      %add3A_55 = vector.broadcast %add3A_54 : i32 to vector<16xi32>
      %add3A_56 = arith.addi %iota3A, %add3A_55 : vector<16xi32>
      %swap3A_57 = arith.constant 48 : index
      %swap3A_58 = tpu.vector_load %arg10[%swap3A_57] {strides = array<i32>} : memref<80xi32, #tpu.memory_space<vmem>>, vector<16xi32>,
      %swap3A_59 = vector.shape_cast %swap3A_58 : vector<16xi32> to vector<16xi32>
      %swap3A_60 = vector.shape_cast %add3A_56 : vector<16xi32> to vector<16xi32>
      tpu.vector_store %arg10[%swap3A_57], %swap3A_60 {strides = array<i32>} : memref<80xi32, #tpu.memory_space<vmem>>, vector<16xi32>,
      %add3A_61 = arith.constant 64 : i32
      %add3A_62 = arith.addi %add3A_29, %add3A_61 : i32
      %add3A_63 = vector.broadcast %add3A_62 : i32 to vector<16xi32>
      %add3A_64 = arith.addi %iota3A, %add3A_63 : vector<16xi32>
      %swap3A_65 = arith.constant 64 : index
      %swap3A_66 = tpu.vector_load %arg10[%swap3A_65] {strides = array<i32>} : memref<80xi32, #tpu.memory_space<vmem>>, vector<16xi32>,
      %swap3A_67 = vector.shape_cast %swap3A_66 : vector<16xi32> to vector<16xi32>
      %swap3A_68 = vector.shape_cast %add3A_64 : vector<16xi32> to vector<16xi32>
      tpu.vector_store %arg10[%swap3A_65], %swap3A_68 {strides = array<i32>} : memref<80xi32, #tpu.memory_space<vmem>>, vector<16xi32>,
      "tpu.region"() ({
        %run_scoped3A = tpu.sem_alloc : memref<!tpu.dma_semaphore, #tpu.memory_space<semaphore_mem>>
        %dma_start3A = arith.constant 0 : i32
        %dma_start3A_69 = arith.constant 0 : i32
        %dma_start3A_70 = tpu.memref_slice %arg13[%dma_start3A, %dma_start3A_69] : memref<10112x128xf32, #tpu.memory_space<vmem_shared>> -> memref<10112x128xf32, #tpu.memory_space<vmem_shared>>
        tpu.enqueue_indirect_dma source(%arg11 : memref<80x128xf32, #tpu.memory_space<vmem>>) target(%dma_start3A_70 : memref<10112x128xf32, #tpu.memory_space<vmem_shared>>) offsets(%arg10 : memref<80xi32, #tpu.memory_space<vmem>>) semaphore(%run_scoped3A : memref<!tpu.dma_semaphore, #tpu.memory_space<semaphore_mem>>)
        %dma_wait3A = arith.constant 0 : i32
        %dma_wait3A_71 = arith.constant 0 : i32
        %dma_wait3A_72 = tpu.memref_slice %arg13[%dma_wait3A, %dma_wait3A_71] : memref<10112x128xf32, #tpu.memory_space<vmem_shared>> -> memref<10112x128xf32, #tpu.memory_space<vmem_shared>>
        tpu.wait_indirect_dma semaphore(%run_scoped3A : memref<!tpu.dma_semaphore, #tpu.memory_space<semaphore_mem>>) src(%arg11 : memref<80x128xf32, #tpu.memory_space<vmem>>) dst(%dma_wait3A_72 : memref<10112x128xf32, #tpu.memory_space<vmem_shared>>)
        tpu.yield
      }) : () -> ()
      "tpu.region"() ({
        %run_scoped3A = tpu.sem_alloc : memref<!tpu.dma_semaphore, #tpu.memory_space<semaphore_mem>>
        %dma_start3A = arith.constant 0 : i32
        %dma_start3A_69 = arith.constant 0 : i32
        %dma_start3A_70 = tpu.memref_slice %arg14[%dma_start3A, %dma_start3A_69] : memref<10112x16xf32, #tpu.memory_space<vmem_shared>> -> memref<10112x16xf32, #tpu.memory_space<vmem_shared>>
        tpu.enqueue_indirect_dma source(%arg12 : memref<80x16xf32, #tpu.memory_space<vmem>>) target(%dma_start3A_70 : memref<10112x16xf32, #tpu.memory_space<vmem_shared>>) offsets(%arg10 : memref<80xi32, #tpu.memory_space<vmem>>) semaphore(%run_scoped3A : memref<!tpu.dma_semaphore, #tpu.memory_space<semaphore_mem>>)
        %dma_wait3A = arith.constant 0 : i32
        %dma_wait3A_71 = arith.constant 0 : i32
        %dma_wait3A_72 = tpu.memref_slice %arg14[%dma_wait3A, %dma_wait3A_71] : memref<10112x16xf32, #tpu.memory_space<vmem_shared>> -> memref<10112x16xf32, #tpu.memory_space<vmem_shared>>
        tpu.wait_indirect_dma semaphore(%run_scoped3A : memref<!tpu.dma_semaphore, #tpu.memory_space<semaphore_mem>>) src(%arg12 : memref<80x16xf32, #tpu.memory_space<vmem>>) dst(%dma_wait3A_72 : memref<10112x16xf32, #tpu.memory_space<vmem_shared>>)
        tpu.yield
      }) : () -> ()
    }
    %scan3A_7 = arith.constant 7 : i32
    %barrier3A = arith.constant 0 : index
    tpu.barrier barrier_id(%barrier3A)
    %mul3A_8 = arith.constant 10000 : i32
    %mul3A_9 = arith.muli %add3A, %mul3A_8 : i32
    %scan3A_10 = arith.constant 0 : i32
    %scan3A_11 = arith.constant 0 : i32
    %scan3A_12 = arith.constant 125 : i32
    %scan3A_13 = arith.addi %scan3A_11, %scan3A_12 : i32
    %scan3A_14 = arith.constant 1 : i32
    scf.for %scan3A_26 = %scan3A_11 to %scan3A_13 step %scan3A_14  : i32 {
      %mul3A_27 = arith.constant 80 : i32
      %mul3A_28 = arith.muli %scan3A_26, %mul3A_27 : i32
      %add3A_29 = arith.addi %mul3A_9, %mul3A_28 : i32
      "tpu.region"() ({
        %run_scoped3A = tpu.sem_alloc : memref<!tpu.dma_semaphore, #tpu.memory_space<semaphore_mem>>
        %dma_start3A = tpu.memref_slice %arg4[%add3A_29] : memref<320000xi32, #tpu.memory_space<hbm>> -> memref<80xi32, #tpu.memory_space<hbm>>
        %dma_start3A_30 = tpu.memref_slice %arg4[%add3A_29] : memref<320000xi32, #tpu.memory_space<hbm>> -> memref<80xi32, #tpu.memory_space<hbm>>
        tpu.enqueue_dma source(%dma_start3A_30 : memref<80xi32, #tpu.memory_space<hbm>>) target(%arg9 : memref<80xi32, #tpu.memory_space<vmem>>) target_semaphore(%run_scoped3A : memref<!tpu.dma_semaphore, #tpu.memory_space<semaphore_mem>>)
        %dma_wait3A = tpu.memref_slice %arg4[%add3A_29] : memref<320000xi32, #tpu.memory_space<hbm>> -> memref<80xi32, #tpu.memory_space<hbm>>
        %dma_wait3A_31 = tpu.memref_slice %arg4[%add3A_29] : memref<320000xi32, #tpu.memory_space<hbm>> -> memref<80xi32, #tpu.memory_space<hbm>>
        tpu.wait_dma2 semaphore(%run_scoped3A : memref<!tpu.dma_semaphore, #tpu.memory_space<semaphore_mem>>) src(%dma_wait3A_31 : memref<80xi32, #tpu.memory_space<hbm>>) dst(%arg9 : memref<80xi32, #tpu.memory_space<vmem>>)
        tpu.yield
      }) : () -> ()
      "tpu.region"() ({
        %run_scoped3A = tpu.sem_alloc : memref<!tpu.dma_semaphore, #tpu.memory_space<semaphore_mem>>
        %dma_start3A = arith.constant 0 : i32
        %dma_start3A_30 = tpu.memref_slice %arg2[%add3A_29, %dma_start3A] : memref<320000x128xf32, #tpu.memory_space<hbm>> -> memref<80x128xf32, #tpu.memory_space<hbm>>
        %dma_start3A_31 = arith.constant 0 : i32
        %dma_start3A_32 = tpu.memref_slice %arg2[%add3A_29, %dma_start3A_31] : memref<320000x128xf32, #tpu.memory_space<hbm>> -> memref<80x128xf32, #tpu.memory_space<hbm>>
        tpu.enqueue_dma source(%dma_start3A_32 : memref<80x128xf32, #tpu.memory_space<hbm>>) target(%arg11 : memref<80x128xf32, #tpu.memory_space<vmem>>) target_semaphore(%run_scoped3A : memref<!tpu.dma_semaphore, #tpu.memory_space<semaphore_mem>>)
        %dma_wait3A = arith.constant 0 : i32
        %dma_wait3A_33 = tpu.memref_slice %arg2[%add3A_29, %dma_wait3A] : memref<320000x128xf32, #tpu.memory_space<hbm>> -> memref<80x128xf32, #tpu.memory_space<hbm>>
        %dma_wait3A_34 = arith.constant 0 : i32
        %dma_wait3A_35 = tpu.memref_slice %arg2[%add3A_29, %dma_wait3A_34] : memref<320000x128xf32, #tpu.memory_space<hbm>> -> memref<80x128xf32, #tpu.memory_space<hbm>>
        tpu.wait_dma2 semaphore(%run_scoped3A : memref<!tpu.dma_semaphore, #tpu.memory_space<semaphore_mem>>) src(%dma_wait3A_35 : memref<80x128xf32, #tpu.memory_space<hbm>>) dst(%arg11 : memref<80x128xf32, #tpu.memory_space<vmem>>)
        tpu.yield
      }) : () -> ()
      "tpu.region"() ({
        %run_scoped3A = tpu.sem_alloc : memref<!tpu.dma_semaphore, #tpu.memory_space<semaphore_mem>>
        %dma_start3A = arith.constant 0 : i32
        %dma_start3A_30 = tpu.memref_slice %arg3[%add3A_29, %dma_start3A] : memref<320000x16xf32, #tpu.memory_space<hbm>> -> memref<80x16xf32, #tpu.memory_space<hbm>>
        %dma_start3A_31 = arith.constant 0 : i32
        %dma_start3A_32 = tpu.memref_slice %arg3[%add3A_29, %dma_start3A_31] : memref<320000x16xf32, #tpu.memory_space<hbm>> -> memref<80x16xf32, #tpu.memory_space<hbm>>
        tpu.enqueue_dma source(%dma_start3A_32 : memref<80x16xf32, #tpu.memory_space<hbm>>) target(%arg12 : memref<80x16xf32, #tpu.memory_space<vmem>>) target_semaphore(%run_scoped3A : memref<!tpu.dma_semaphore, #tpu.memory_space<semaphore_mem>>)
        %dma_wait3A = arith.constant 0 : i32
        %dma_wait3A_33 = tpu.memref_slice %arg3[%add3A_29, %dma_wait3A] : memref<320000x16xf32, #tpu.memory_space<hbm>> -> memref<80x16xf32, #tpu.memory_space<hbm>>
        %dma_wait3A_34 = arith.constant 0 : i32
        %dma_wait3A_35 = tpu.memref_slice %arg3[%add3A_29, %dma_wait3A_34] : memref<320000x16xf32, #tpu.memory_space<hbm>> -> memref<80x16xf32, #tpu.memory_space<hbm>>
        tpu.wait_dma2 semaphore(%run_scoped3A : memref<!tpu.dma_semaphore, #tpu.memory_space<semaphore_mem>>) src(%dma_wait3A_35 : memref<80x16xf32, #tpu.memory_space<hbm>>) dst(%arg12 : memref<80x16xf32, #tpu.memory_space<vmem>>)
        tpu.yield
      }) : () -> ()
      "tpu.region"() ({
        %run_scoped3A = tpu.sem_alloc : memref<!tpu.dma_semaphore, #tpu.memory_space<semaphore_mem>>
        %dma_start3A = arith.constant 0 : i32
        %dma_start3A_30 = arith.constant 0 : i32
        %dma_start3A_31 = tpu.memref_slice %arg13[%dma_start3A, %dma_start3A_30] : memref<10112x128xf32, #tpu.memory_space<vmem_shared>> -> memref<10112x128xf32, #tpu.memory_space<vmem_shared>>
        tpu.enqueue_indirect_dma source(%arg11 : memref<80x128xf32, #tpu.memory_space<vmem>>) target(%dma_start3A_31 : memref<10112x128xf32, #tpu.memory_space<vmem_shared>>) offsets(%arg9 : memref<80xi32, #tpu.memory_space<vmem>>) semaphore(%run_scoped3A : memref<!tpu.dma_semaphore, #tpu.memory_space<semaphore_mem>>) {add = true}
        %dma_wait3A = arith.constant 0 : i32
        %dma_wait3A_32 = arith.constant 0 : i32
        %dma_wait3A_33 = tpu.memref_slice %arg13[%dma_wait3A, %dma_wait3A_32] : memref<10112x128xf32, #tpu.memory_space<vmem_shared>> -> memref<10112x128xf32, #tpu.memory_space<vmem_shared>>
        tpu.wait_indirect_dma semaphore(%run_scoped3A : memref<!tpu.dma_semaphore, #tpu.memory_space<semaphore_mem>>) src(%arg11 : memref<80x128xf32, #tpu.memory_space<vmem>>) dst(%dma_wait3A_33 : memref<10112x128xf32, #tpu.memory_space<vmem_shared>>)
        tpu.yield
      }) : () -> ()
      "tpu.region"() ({
        %run_scoped3A = tpu.sem_alloc : memref<!tpu.dma_semaphore, #tpu.memory_space<semaphore_mem>>
        %dma_start3A = arith.constant 0 : i32
        %dma_start3A_30 = arith.constant 0 : i32
        %dma_start3A_31 = tpu.memref_slice %arg14[%dma_start3A, %dma_start3A_30] : memref<10112x16xf32, #tpu.memory_space<vmem_shared>> -> memref<10112x16xf32, #tpu.memory_space<vmem_shared>>
        tpu.enqueue_indirect_dma source(%arg12 : memref<80x16xf32, #tpu.memory_space<vmem>>) target(%dma_start3A_31 : memref<10112x16xf32, #tpu.memory_space<vmem_shared>>) offsets(%arg9 : memref<80xi32, #tpu.memory_space<vmem>>) semaphore(%run_scoped3A : memref<!tpu.dma_semaphore, #tpu.memory_space<semaphore_mem>>) {add = true}
        %dma_wait3A = arith.constant 0 : i32
        %dma_wait3A_32 = arith.constant 0 : i32
        %dma_wait3A_33 = tpu.memref_slice %arg14[%dma_wait3A, %dma_wait3A_32] : memref<10112x16xf32, #tpu.memory_space<vmem_shared>> -> memref<10112x16xf32, #tpu.memory_space<vmem_shared>>
        tpu.wait_indirect_dma semaphore(%run_scoped3A : memref<!tpu.dma_semaphore, #tpu.memory_space<semaphore_mem>>) src(%arg12 : memref<80x16xf32, #tpu.memory_space<vmem>>) dst(%dma_wait3A_33 : memref<10112x16xf32, #tpu.memory_space<vmem_shared>>)
        tpu.yield
      }) : () -> ()
    }
    %scan3A_15 = arith.constant 125 : i32
    %barrier3A_16 = arith.constant 0 : index
    tpu.barrier barrier_id(%barrier3A_16)
    %mul3A_17 = arith.constant 10112 : i32
    %mul3A_18 = arith.muli %arg0, %mul3A_17 : i32
    %add3A_19 = arith.addi %mul3A_18, %mul3A_2 : i32
    %scan3A_20 = arith.constant 0 : i32
    %scan3A_21 = arith.constant 0 : i32
    %scan3A_22 = arith.constant 7 : i32
    %scan3A_23 = arith.addi %scan3A_21, %scan3A_22 : i32
    %scan3A_24 = arith.constant 1 : i32
    scf.for %scan3A_26 = %scan3A_21 to %scan3A_23 step %scan3A_24  : i32 {
      %mul3A_27 = arith.constant 80 : i32
      %mul3A_28 = arith.muli %scan3A_26, %mul3A_27 : i32
      %add3A_29 = arith.addi %mul3A_2, %mul3A_28 : i32
      %add3A_30 = arith.constant 0 : i32
      %add3A_31 = arith.addi %add3A_29, %add3A_30 : i32
      %add3A_32 = vector.broadcast %add3A_31 : i32 to vector<16xi32>
      %add3A_33 = arith.addi %iota3A, %add3A_32 : vector<16xi32>
      %swap3A = arith.constant 0 : index
      %swap3A_34 = tpu.vector_load %arg10[%swap3A] {strides = array<i32>} : memref<80xi32, #tpu.memory_space<vmem>>, vector<16xi32>,
      %swap3A_35 = vector.shape_cast %swap3A_34 : vector<16xi32> to vector<16xi32>
      %swap3A_36 = vector.shape_cast %add3A_33 : vector<16xi32> to vector<16xi32>
      tpu.vector_store %arg10[%swap3A], %swap3A_36 {strides = array<i32>} : memref<80xi32, #tpu.memory_space<vmem>>, vector<16xi32>,
      %add3A_37 = arith.constant 16 : i32
      %add3A_38 = arith.addi %add3A_29, %add3A_37 : i32
      %add3A_39 = vector.broadcast %add3A_38 : i32 to vector<16xi32>
      %add3A_40 = arith.addi %iota3A, %add3A_39 : vector<16xi32>
      %swap3A_41 = arith.constant 16 : index
      %swap3A_42 = tpu.vector_load %arg10[%swap3A_41] {strides = array<i32>} : memref<80xi32, #tpu.memory_space<vmem>>, vector<16xi32>,
      %swap3A_43 = vector.shape_cast %swap3A_42 : vector<16xi32> to vector<16xi32>
      %swap3A_44 = vector.shape_cast %add3A_40 : vector<16xi32> to vector<16xi32>
      tpu.vector_store %arg10[%swap3A_41], %swap3A_44 {strides = array<i32>} : memref<80xi32, #tpu.memory_space<vmem>>, vector<16xi32>,
      %add3A_45 = arith.constant 32 : i32
      %add3A_46 = arith.addi %add3A_29, %add3A_45 : i32
      %add3A_47 = vector.broadcast %add3A_46 : i32 to vector<16xi32>
      %add3A_48 = arith.addi %iota3A, %add3A_47 : vector<16xi32>
      %swap3A_49 = arith.constant 32 : index
      %swap3A_50 = tpu.vector_load %arg10[%swap3A_49] {strides = array<i32>} : memref<80xi32, #tpu.memory_space<vmem>>, vector<16xi32>,
      %swap3A_51 = vector.shape_cast %swap3A_50 : vector<16xi32> to vector<16xi32>
      %swap3A_52 = vector.shape_cast %add3A_48 : vector<16xi32> to vector<16xi32>
      tpu.vector_store %arg10[%swap3A_49], %swap3A_52 {strides = array<i32>} : memref<80xi32, #tpu.memory_space<vmem>>, vector<16xi32>,
      %add3A_53 = arith.constant 48 : i32
      %add3A_54 = arith.addi %add3A_29, %add3A_53 : i32
      %add3A_55 = vector.broadcast %add3A_54 : i32 to vector<16xi32>
      %add3A_56 = arith.addi %iota3A, %add3A_55 : vector<16xi32>
      %swap3A_57 = arith.constant 48 : index
      %swap3A_58 = tpu.vector_load %arg10[%swap3A_57] {strides = array<i32>} : memref<80xi32, #tpu.memory_space<vmem>>, vector<16xi32>,
      %swap3A_59 = vector.shape_cast %swap3A_58 : vector<16xi32> to vector<16xi32>
      %swap3A_60 = vector.shape_cast %add3A_56 : vector<16xi32> to vector<16xi32>
      tpu.vector_store %arg10[%swap3A_57], %swap3A_60 {strides = array<i32>} : memref<80xi32, #tpu.memory_space<vmem>>, vector<16xi32>,
      %add3A_61 = arith.constant 64 : i32
      %add3A_62 = arith.addi %add3A_29, %add3A_61 : i32
      %add3A_63 = vector.broadcast %add3A_62 : i32 to vector<16xi32>
      %add3A_64 = arith.addi %iota3A, %add3A_63 : vector<16xi32>
      %swap3A_65 = arith.constant 64 : index
      %swap3A_66 = tpu.vector_load %arg10[%swap3A_65] {strides = array<i32>} : memref<80xi32, #tpu.memory_space<vmem>>, vector<16xi32>,
      %swap3A_67 = vector.shape_cast %swap3A_66 : vector<16xi32> to vector<16xi32>
      %swap3A_68 = vector.shape_cast %add3A_64 : vector<16xi32> to vector<16xi32>
      tpu.vector_store %arg10[%swap3A_65], %swap3A_68 {strides = array<i32>} : memref<80xi32, #tpu.memory_space<vmem>>, vector<16xi32>,
      %mul3A_69 = arith.constant 80 : i32
      %mul3A_70 = arith.muli %scan3A_26, %mul3A_69 : i32
      %add3A_71 = arith.addi %add3A_19, %mul3A_70 : i32
      "tpu.region"() ({
        %run_scoped3A = tpu.sem_alloc : memref<!tpu.dma_semaphore, #tpu.memory_space<semaphore_mem>>
        %dma_start3A = arith.constant 0 : i32
        %dma_start3A_72 = arith.constant 0 : i32
        %dma_start3A_73 = tpu.memref_slice %arg13[%dma_start3A, %dma_start3A_72] : memref<10112x128xf32, #tpu.memory_space<vmem_shared>> -> memref<10112x128xf32, #tpu.memory_space<vmem_shared>>
        tpu.enqueue_indirect_dma source(%dma_start3A_73 : memref<10112x128xf32, #tpu.memory_space<vmem_shared>>) target(%arg11 : memref<80x128xf32, #tpu.memory_space<vmem>>) offsets(%arg10 : memref<80xi32, #tpu.memory_space<vmem>>) semaphore(%run_scoped3A : memref<!tpu.dma_semaphore, #tpu.memory_space<semaphore_mem>>)
        %dma_wait3A = arith.constant 0 : i32
        %dma_wait3A_74 = arith.constant 0 : i32
        %dma_wait3A_75 = tpu.memref_slice %arg13[%dma_wait3A, %dma_wait3A_74] : memref<10112x128xf32, #tpu.memory_space<vmem_shared>> -> memref<10112x128xf32, #tpu.memory_space<vmem_shared>>
        tpu.wait_indirect_dma semaphore(%run_scoped3A : memref<!tpu.dma_semaphore, #tpu.memory_space<semaphore_mem>>) src(%dma_wait3A_75 : memref<10112x128xf32, #tpu.memory_space<vmem_shared>>) dst(%arg11 : memref<80x128xf32, #tpu.memory_space<vmem>>)
        tpu.yield
      }) : () -> ()
      "tpu.region"() ({
        %run_scoped3A = tpu.sem_alloc : memref<!tpu.dma_semaphore, #tpu.memory_space<semaphore_mem>>
        %dma_start3A = arith.constant 0 : i32
        %dma_start3A_72 = tpu.memref_slice %arg7[%add3A_71, %dma_start3A] : memref<20224x128xf32, #tpu.memory_space<hbm>> -> memref<80x128xf32, #tpu.memory_space<hbm>>
        %dma_start3A_73 = arith.constant 0 : i32
        %dma_start3A_74 = tpu.memref_slice %arg7[%add3A_71, %dma_start3A_73] : memref<20224x128xf32, #tpu.memory_space<hbm>> -> memref<80x128xf32, #tpu.memory_space<hbm>>
        tpu.enqueue_dma source(%arg11 : memref<80x128xf32, #tpu.memory_space<vmem>>) target(%dma_start3A_74 : memref<80x128xf32, #tpu.memory_space<hbm>>) target_semaphore(%run_scoped3A : memref<!tpu.dma_semaphore, #tpu.memory_space<semaphore_mem>>)
        %dma_wait3A = arith.constant 0 : i32
        %dma_wait3A_75 = tpu.memref_slice %arg7[%add3A_71, %dma_wait3A] : memref<20224x128xf32, #tpu.memory_space<hbm>> -> memref<80x128xf32, #tpu.memory_space<hbm>>
        %dma_wait3A_76 = arith.constant 0 : i32
        %dma_wait3A_77 = tpu.memref_slice %arg7[%add3A_71, %dma_wait3A_76] : memref<20224x128xf32, #tpu.memory_space<hbm>> -> memref<80x128xf32, #tpu.memory_space<hbm>>
        tpu.wait_dma2 semaphore(%run_scoped3A : memref<!tpu.dma_semaphore, #tpu.memory_space<semaphore_mem>>) src(%arg11 : memref<80x128xf32, #tpu.memory_space<vmem>>) dst(%dma_wait3A_77 : memref<80x128xf32, #tpu.memory_space<hbm>>)
        tpu.yield
      }) : () -> ()
      "tpu.region"() ({
        %run_scoped3A = tpu.sem_alloc : memref<!tpu.dma_semaphore, #tpu.memory_space<semaphore_mem>>
        %dma_start3A = arith.constant 0 : i32
        %dma_start3A_72 = arith.constant 0 : i32
        %dma_start3A_73 = tpu.memref_slice %arg14[%dma_start3A, %dma_start3A_72] : memref<10112x16xf32, #tpu.memory_space<vmem_shared>> -> memref<10112x16xf32, #tpu.memory_space<vmem_shared>>
        tpu.enqueue_indirect_dma source(%dma_start3A_73 : memref<10112x16xf32, #tpu.memory_space<vmem_shared>>) target(%arg12 : memref<80x16xf32, #tpu.memory_space<vmem>>) offsets(%arg10 : memref<80xi32, #tpu.memory_space<vmem>>) semaphore(%run_scoped3A : memref<!tpu.dma_semaphore, #tpu.memory_space<semaphore_mem>>)
        %dma_wait3A = arith.constant 0 : i32
        %dma_wait3A_74 = arith.constant 0 : i32
        %dma_wait3A_75 = tpu.memref_slice %arg14[%dma_wait3A, %dma_wait3A_74] : memref<10112x16xf32, #tpu.memory_space<vmem_shared>> -> memref<10112x16xf32, #tpu.memory_space<vmem_shared>>
        tpu.wait_indirect_dma semaphore(%run_scoped3A : memref<!tpu.dma_semaphore, #tpu.memory_space<semaphore_mem>>) src(%dma_wait3A_75 : memref<10112x16xf32, #tpu.memory_space<vmem_shared>>) dst(%arg12 : memref<80x16xf32, #tpu.memory_space<vmem>>)
        tpu.yield
      }) : () -> ()
      "tpu.region"() ({
        %run_scoped3A = tpu.sem_alloc : memref<!tpu.dma_semaphore, #tpu.memory_space<semaphore_mem>>
        %dma_start3A = arith.constant 0 : i32
        %dma_start3A_72 = tpu.memref_slice %arg8[%add3A_71, %dma_start3A] : memref<20224x16xf32, #tpu.memory_space<hbm>> -> memref<80x16xf32, #tpu.memory_space<hbm>>
        %dma_start3A_73 = arith.constant 0 : i32
        %dma_start3A_74 = tpu.memref_slice %arg8[%add3A_71, %dma_start3A_73] : memref<20224x16xf32, #tpu.memory_space<hbm>> -> memref<80x16xf32, #tpu.memory_space<hbm>>
        tpu.enqueue_dma source(%arg12 : memref<80x16xf32, #tpu.memory_space<vmem>>) target(%dma_start3A_74 : memref<80x16xf32, #tpu.memory_space<hbm>>) target_semaphore(%run_scoped3A : memref<!tpu.dma_semaphore, #tpu.memory_space<semaphore_mem>>)
        %dma_wait3A = arith.constant 0 : i32
        %dma_wait3A_75 = tpu.memref_slice %arg8[%add3A_71, %dma_wait3A] : memref<20224x16xf32, #tpu.memory_space<hbm>> -> memref<80x16xf32, #tpu.memory_space<hbm>>
        %dma_wait3A_76 = arith.constant 0 : i32
        %dma_wait3A_77 = tpu.memref_slice %arg8[%add3A_71, %dma_wait3A_76] : memref<20224x16xf32, #tpu.memory_space<hbm>> -> memref<80x16xf32, #tpu.memory_space<hbm>>
        tpu.wait_dma2 semaphore(%run_scoped3A : memref<!tpu.dma_semaphore, #tpu.memory_space<semaphore_mem>>) src(%arg12 : memref<80x16xf32, #tpu.memory_space<vmem>>) dst(%dma_wait3A_77 : memref<80x16xf32, #tpu.memory_space<hbm>>)
        tpu.yield
      }) : () -> ()
    }
    %scan3A_25 = arith.constant 7 : i32
    return
  }
}

#map = affine_map<(d0, d1) -> (0, 0)>
#map1 = affine_map<(d0, d1) -> (0)>
module attributes {stable_mosaic.version = 14 : i64} {
  func.func @k(%arg0: i32, %arg1: i32, %arg2: memref<320000x128xf32, #tpu.memory_space<hbm>>, %arg3: memref<320000x16xf32, #tpu.memory_space<hbm>>, %arg4: memref<320000xi32, #tpu.memory_space<hbm>>, %arg5: memref<80x128xf32, #tpu.memory_space<hbm>>, %arg6: memref<80x16xf32, #tpu.memory_space<hbm>>, %arg7: memref<20224x128xf32, #tpu.memory_space<hbm>>, %arg8: memref<20224x16xf32, #tpu.memory_space<hbm>>, %arg9: memref<80xi32, #tpu.memory_space<vmem>>, %arg10: memref<80xi32, #tpu.memory_space<vmem>>, %arg11: memref<80x128xf32, #tpu.memory_space<vmem>>, %arg12: memref<80x16xf32, #tpu.memory_space<vmem>>, %arg13: memref<10112x128xf32, #tpu.memory_space<vmem_shared>>, %arg14: memref<10112x16xf32, #tpu.memory_space<vmem_shared>>) attributes {dimension_semantics = [#tpu.dimension_semantics<core_parallel>, #tpu.dimension_semantics<subcore_parallel>], iteration_bounds = array<i64: 2, 16>, scalar_prefetch = 0 : i64, scratch_operands = 6 : i64, tpu.core_type = #tpu.core_type<sc_vector_subcore>, window_params = [{transform_indices = #map}, {transform_indices = #map}, {transform_indices = #map1}, {transform_indices = #map}, {transform_indices = #map}, {transform_indices = #map}, {transform_indices = #map}]} {
    %mul3A = arith.constant 2 : i32
    %mul3A_0 = arith.muli %arg1, %mul3A : i32
    %add3A = arith.addi %mul3A_0, %arg0 : i32
    %mul3A_1 = arith.constant 632 : i32
    %mul3A_2 = arith.muli %arg1, %mul3A_1 : i32
    %iota3A = tpu.iota {dimensions = array<i32: 0>} : vector<16xi32>
    "tpu.region"() ({
      %run_scoped3A = tpu.sem_alloc : memref<!tpu.dma_semaphore, #tpu.memory_space<semaphore_mem>>
      tpu.enqueue_dma source(%arg5 : memref<80x128xf32, #tpu.memory_space<hbm>>) target(%arg11 : memref<80x128xf32, #tpu.memory_space<vmem>>) target_semaphore(%run_scoped3A : memref<!tpu.dma_semaphore, #tpu.memory_space<semaphore_mem>>)
      tpu.wait_dma2 semaphore(%run_scoped3A : memref<!tpu.dma_semaphore, #tpu.memory_space<semaphore_mem>>) src(%arg5 : memref<80x128xf32, #tpu.memory_space<hbm>>) dst(%arg11 : memref<80x128xf32, #tpu.memory_space<vmem>>)
      tpu.yield
    }) : () -> ()
    "tpu.region"() ({
      %run_scoped3A = tpu.sem_alloc : memref<!tpu.dma_semaphore, #tpu.memory_space<semaphore_mem>>
      tpu.enqueue_dma source(%arg6 : memref<80x16xf32, #tpu.memory_space<hbm>>) target(%arg12 : memref<80x16xf32, #tpu.memory_space<vmem>>) target_semaphore(%run_scoped3A : memref<!tpu.dma_semaphore, #tpu.memory_space<semaphore_mem>>)
      tpu.wait_dma2 semaphore(%run_scoped3A : memref<!tpu.dma_semaphore, #tpu.memory_space<semaphore_mem>>) src(%arg6 : memref<80x16xf32, #tpu.memory_space<hbm>>) dst(%arg12 : memref<80x16xf32, #tpu.memory_space<vmem>>)
      tpu.yield
    }) : () -> ()
    %scan3A = arith.constant 0 : i32
    %scan3A_3 = arith.constant 0 : i32
    %scan3A_4 = arith.constant 7 : i32
    %scan3A_5 = arith.addi %scan3A_3, %scan3A_4 : i32
    %scan3A_6 = arith.constant 1 : i32
    scf.for %scan3A_26 = %scan3A_3 to %scan3A_5 step %scan3A_6  : i32 {
      %mul3A_27 = arith.constant 80 : i32
      %mul3A_28 = arith.muli %scan3A_26, %mul3A_27 : i32
      %add3A_29 = arith.addi %mul3A_2, %mul3A_28 : i32
      %add3A_30 = arith.constant 0 : i32
      %add3A_31 = arith.addi %add3A_29, %add3A_30 : i32
      %add3A_32 = vector.broadcast %add3A_31 : i32 to vector<16xi32>
      %add3A_33 = arith.addi %iota3A, %add3A_32 : vector<16xi32>
      %swap3A = arith.constant 0 : index
      %swap3A_34 = tpu.vector_load %arg10[%swap3A] {strides = array<i32>} : memref<80xi32, #tpu.memory_space<vmem>>, vector<16xi32>,
      %swap3A_35 = vector.shape_cast %swap3A_34 : vector<16xi32> to vector<16xi32>
      %swap3A_36 = vector.shape_cast %add3A_33 : vector<16xi32> to vector<16xi32>
      tpu.vector_store %arg10[%swap3A], %swap3A_36 {strides = array<i32>} : memref<80xi32, #tpu.memory_space<vmem>>, vector<16xi32>,
      %add3A_37 = arith.constant 16 : i32
      %add3A_38 = arith.addi %add3A_29, %add3A_37 : i32
      %add3A_39 = vector.broadcast %add3A_38 : i32 to vector<16xi32>
      %add3A_40 = arith.addi %iota3A, %add3A_39 : vector<16xi32>
      %swap3A_41 = arith.constant 16 : index
      %swap3A_42 = tpu.vector_load %arg10[%swap3A_41] {strides = array<i32>} : memref<80xi32, #tpu.memory_space<vmem>>, vector<16xi32>,
      %swap3A_43 = vector.shape_cast %swap3A_42 : vector<16xi32> to vector<16xi32>
      %swap3A_44 = vector.shape_cast %add3A_40 : vector<16xi32> to vector<16xi32>
      tpu.vector_store %arg10[%swap3A_41], %swap3A_44 {strides = array<i32>} : memref<80xi32, #tpu.memory_space<vmem>>, vector<16xi32>,
      %add3A_45 = arith.constant 32 : i32
      %add3A_46 = arith.addi %add3A_29, %add3A_45 : i32
      %add3A_47 = vector.broadcast %add3A_46 : i32 to vector<16xi32>
      %add3A_48 = arith.addi %iota3A, %add3A_47 : vector<16xi32>
      %swap3A_49 = arith.constant 32 : index
      %swap3A_50 = tpu.vector_load %arg10[%swap3A_49] {strides = array<i32>} : memref<80xi32, #tpu.memory_space<vmem>>, vector<16xi32>,
      %swap3A_51 = vector.shape_cast %swap3A_50 : vector<16xi32> to vector<16xi32>
      %swap3A_52 = vector.shape_cast %add3A_48 : vector<16xi32> to vector<16xi32>
      tpu.vector_store %arg10[%swap3A_49], %swap3A_52 {strides = array<i32>} : memref<80xi32, #tpu.memory_space<vmem>>, vector<16xi32>,
      %add3A_53 = arith.constant 48 : i32
      %add3A_54 = arith.addi %add3A_29, %add3A_53 : i32
      %add3A_55 = vector.broadcast %add3A_54 : i32 to vector<16xi32>
      %add3A_56 = arith.addi %iota3A, %add3A_55 : vector<16xi32>
      %swap3A_57 = arith.constant 48 : index
      %swap3A_58 = tpu.vector_load %arg10[%swap3A_57] {strides = array<i32>} : memref<80xi32, #tpu.memory_space<vmem>>, vector<16xi32>,
      %swap3A_59 = vector.shape_cast %swap3A_58 : vector<16xi32> to vector<16xi32>
      %swap3A_60 = vector.shape_cast %add3A_56 : vector<16xi32> to vector<16xi32>
      tpu.vector_store %arg10[%swap3A_57], %swap3A_60 {strides = array<i32>} : memref<80xi32, #tpu.memory_space<vmem>>, vector<16xi32>,
      %add3A_61 = arith.constant 64 : i32
      %add3A_62 = arith.addi %add3A_29, %add3A_61 : i32
      %add3A_63 = vector.broadcast %add3A_62 : i32 to vector<16xi32>
      %add3A_64 = arith.addi %iota3A, %add3A_63 : vector<16xi32>
      %swap3A_65 = arith.constant 64 : index
      %swap3A_66 = tpu.vector_load %arg10[%swap3A_65] {strides = array<i32>} : memref<80xi32, #tpu.memory_space<vmem>>, vector<16xi32>,
      %swap3A_67 = vector.shape_cast %swap3A_66 : vector<16xi32> to vector<16xi32>
      %swap3A_68 = vector.shape_cast %add3A_64 : vector<16xi32> to vector<16xi32>
      tpu.vector_store %arg10[%swap3A_65], %swap3A_68 {strides = array<i32>} : memref<80xi32, #tpu.memory_space<vmem>>, vector<16xi32>,
      "tpu.region"() ({
        %run_scoped3A = tpu.sem_alloc : memref<!tpu.dma_semaphore, #tpu.memory_space<semaphore_mem>>
        %dma_start3A = arith.constant 0 : i32
        %dma_start3A_69 = arith.constant 0 : i32
        %dma_start3A_70 = tpu.memref_slice %arg13[%dma_start3A, %dma_start3A_69] : memref<10112x128xf32, #tpu.memory_space<vmem_shared>> -> memref<10112x128xf32, #tpu.memory_space<vmem_shared>>
        tpu.enqueue_indirect_dma source(%arg11 : memref<80x128xf32, #tpu.memory_space<vmem>>) target(%dma_start3A_70 : memref<10112x128xf32, #tpu.memory_space<vmem_shared>>) offsets(%arg10 : memref<80xi32, #tpu.memory_space<vmem>>) semaphore(%run_scoped3A : memref<!tpu.dma_semaphore, #tpu.memory_space<semaphore_mem>>)
        %dma_wait3A = arith.constant 0 : i32
        %dma_wait3A_71 = arith.constant 0 : i32
        %dma_wait3A_72 = tpu.memref_slice %arg13[%dma_wait3A, %dma_wait3A_71] : memref<10112x128xf32, #tpu.memory_space<vmem_shared>> -> memref<10112x128xf32, #tpu.memory_space<vmem_shared>>
        tpu.wait_indirect_dma semaphore(%run_scoped3A : memref<!tpu.dma_semaphore, #tpu.memory_space<semaphore_mem>>) src(%arg11 : memref<80x128xf32, #tpu.memory_space<vmem>>) dst(%dma_wait3A_72 : memref<10112x128xf32, #tpu.memory_space<vmem_shared>>)
        tpu.yield
      }) : () -> ()
      "tpu.region"() ({
        %run_scoped3A = tpu.sem_alloc : memref<!tpu.dma_semaphore, #tpu.memory_space<semaphore_mem>>
        %dma_start3A = arith.constant 0 : i32
        %dma_start3A_69 = arith.constant 0 : i32
        %dma_start3A_70 = tpu.memref_slice %arg14[%dma_start3A, %dma_start3A_69] : memref<10112x16xf32, #tpu.memory_space<vmem_shared>> -> memref<10112x16xf32, #tpu.memory_space<vmem_shared>>
        tpu.enqueue_indirect_dma source(%arg12 : memref<80x16xf32, #tpu.memory_space<vmem>>) target(%dma_start3A_70 : memref<10112x16xf32, #tpu.memory_space<vmem_shared>>) offsets(%arg10 : memref<80xi32, #tpu.memory_space<vmem>>) semaphore(%run_scoped3A : memref<!tpu.dma_semaphore, #tpu.memory_space<semaphore_mem>>)
        %dma_wait3A = arith.constant 0 : i32
        %dma_wait3A_71 = arith.constant 0 : i32
        %dma_wait3A_72 = tpu.memref_slice %arg14[%dma_wait3A, %dma_wait3A_71] : memref<10112x16xf32, #tpu.memory_space<vmem_shared>> -> memref<10112x16xf32, #tpu.memory_space<vmem_shared>>
        tpu.wait_indirect_dma semaphore(%run_scoped3A : memref<!tpu.dma_semaphore, #tpu.memory_space<semaphore_mem>>) src(%arg12 : memref<80x16xf32, #tpu.memory_space<vmem>>) dst(%dma_wait3A_72 : memref<10112x16xf32, #tpu.memory_space<vmem_shared>>)
        tpu.yield
      }) : () -> ()
    }
    %scan3A_7 = arith.constant 7 : i32
    %barrier3A = arith.constant 0 : index
    tpu.barrier barrier_id(%barrier3A)
    %mul3A_8 = arith.constant 10000 : i32
    %mul3A_9 = arith.muli %add3A, %mul3A_8 : i32
    %scan3A_10 = arith.constant 0 : i32
    %scan3A_11 = arith.constant 0 : i32
    %scan3A_12 = arith.constant 125 : i32
    %scan3A_13 = arith.addi %scan3A_11, %scan3A_12 : i32
    %scan3A_14 = arith.constant 1 : i32
    scf.for %scan3A_26 = %scan3A_11 to %scan3A_13 step %scan3A_14  : i32 {
      %mul3A_27 = arith.constant 80 : i32
      %mul3A_28 = arith.muli %scan3A_26, %mul3A_27 : i32
      %add3A_29 = arith.addi %mul3A_9, %mul3A_28 : i32
      "tpu.region"() ({
        %run_scoped3A = tpu.sem_alloc : memref<!tpu.dma_semaphore, #tpu.memory_space<semaphore_mem>>
        %dma_start3A = tpu.memref_slice %arg4[%add3A_29] : memref<320000xi32, #tpu.memory_space<hbm>> -> memref<80xi32, #tpu.memory_space<hbm>>
        %dma_start3A_30 = tpu.memref_slice %arg4[%add3A_29] : memref<320000xi32, #tpu.memory_space<hbm>> -> memref<80xi32, #tpu.memory_space<hbm>>
        tpu.enqueue_dma source(%dma_start3A_30 : memref<80xi32, #tpu.memory_space<hbm>>) target(%arg9 : memref<80xi32, #tpu.memory_space<vmem>>) target_semaphore(%run_scoped3A : memref<!tpu.dma_semaphore, #tpu.memory_space<semaphore_mem>>)
        %dma_wait3A = tpu.memref_slice %arg4[%add3A_29] : memref<320000xi32, #tpu.memory_space<hbm>> -> memref<80xi32, #tpu.memory_space<hbm>>
        %dma_wait3A_31 = tpu.memref_slice %arg4[%add3A_29] : memref<320000xi32, #tpu.memory_space<hbm>> -> memref<80xi32, #tpu.memory_space<hbm>>
        tpu.wait_dma2 semaphore(%run_scoped3A : memref<!tpu.dma_semaphore, #tpu.memory_space<semaphore_mem>>) src(%dma_wait3A_31 : memref<80xi32, #tpu.memory_space<hbm>>) dst(%arg9 : memref<80xi32, #tpu.memory_space<vmem>>)
        tpu.yield
      }) : () -> ()
      "tpu.region"() ({
        %run_scoped3A = tpu.sem_alloc : memref<!tpu.dma_semaphore, #tpu.memory_space<semaphore_mem>>
        %dma_start3A = arith.constant 0 : i32
        %dma_start3A_30 = tpu.memref_slice %arg2[%add3A_29, %dma_start3A] : memref<320000x128xf32, #tpu.memory_space<hbm>> -> memref<80x128xf32, #tpu.memory_space<hbm>>
        %dma_start3A_31 = arith.constant 0 : i32
        %dma_start3A_32 = tpu.memref_slice %arg2[%add3A_29, %dma_start3A_31] : memref<320000x128xf32, #tpu.memory_space<hbm>> -> memref<80x128xf32, #tpu.memory_space<hbm>>
        tpu.enqueue_dma source(%dma_start3A_32 : memref<80x128xf32, #tpu.memory_space<hbm>>) target(%arg11 : memref<80x128xf32, #tpu.memory_space<vmem>>) target_semaphore(%run_scoped3A : memref<!tpu.dma_semaphore, #tpu.memory_space<semaphore_mem>>)
        %dma_wait3A = arith.constant 0 : i32
        %dma_wait3A_33 = tpu.memref_slice %arg2[%add3A_29, %dma_wait3A] : memref<320000x128xf32, #tpu.memory_space<hbm>> -> memref<80x128xf32, #tpu.memory_space<hbm>>
        %dma_wait3A_34 = arith.constant 0 : i32
        %dma_wait3A_35 = tpu.memref_slice %arg2[%add3A_29, %dma_wait3A_34] : memref<320000x128xf32, #tpu.memory_space<hbm>> -> memref<80x128xf32, #tpu.memory_space<hbm>>
        tpu.wait_dma2 semaphore(%run_scoped3A : memref<!tpu.dma_semaphore, #tpu.memory_space<semaphore_mem>>) src(%dma_wait3A_35 : memref<80x128xf32, #tpu.memory_space<hbm>>) dst(%arg11 : memref<80x128xf32, #tpu.memory_space<vmem>>)
        tpu.yield
      }) : () -> ()
      "tpu.region"() ({
        %run_scoped3A = tpu.sem_alloc : memref<!tpu.dma_semaphore, #tpu.memory_space<semaphore_mem>>
        %dma_start3A = arith.constant 0 : i32
        %dma_start3A_30 = tpu.memref_slice %arg3[%add3A_29, %dma_start3A] : memref<320000x16xf32, #tpu.memory_space<hbm>> -> memref<80x16xf32, #tpu.memory_space<hbm>>
        %dma_start3A_31 = arith.constant 0 : i32
        %dma_start3A_32 = tpu.memref_slice %arg3[%add3A_29, %dma_start3A_31] : memref<320000x16xf32, #tpu.memory_space<hbm>> -> memref<80x16xf32, #tpu.memory_space<hbm>>
        tpu.enqueue_dma source(%dma_start3A_32 : memref<80x16xf32, #tpu.memory_space<hbm>>) target(%arg12 : memref<80x16xf32, #tpu.memory_space<vmem>>) target_semaphore(%run_scoped3A : memref<!tpu.dma_semaphore, #tpu.memory_space<semaphore_mem>>)
        %dma_wait3A = arith.constant 0 : i32
        %dma_wait3A_33 = tpu.memref_slice %arg3[%add3A_29, %dma_wait3A] : memref<320000x16xf32, #tpu.memory_space<hbm>> -> memref<80x16xf32, #tpu.memory_space<hbm>>
        %dma_wait3A_34 = arith.constant 0 : i32
        %dma_wait3A_35 = tpu.memref_slice %arg3[%add3A_29, %dma_wait3A_34] : memref<320000x16xf32, #tpu.memory_space<hbm>> -> memref<80x16xf32, #tpu.memory_space<hbm>>
        tpu.wait_dma2 semaphore(%run_scoped3A : memref<!tpu.dma_semaphore, #tpu.memory_space<semaphore_mem>>) src(%dma_wait3A_35 : memref<80x16xf32, #tpu.memory_space<hbm>>) dst(%arg12 : memref<80x16xf32, #tpu.memory_space<vmem>>)
        tpu.yield
      }) : () -> ()
      "tpu.region"() ({
        %run_scoped3A = tpu.sem_alloc : memref<!tpu.dma_semaphore, #tpu.memory_space<semaphore_mem>>
        %dma_start3A = arith.constant 0 : i32
        %dma_start3A_30 = arith.constant 0 : i32
        %dma_start3A_31 = tpu.memref_slice %arg13[%dma_start3A, %dma_start3A_30] : memref<10112x128xf32, #tpu.memory_space<vmem_shared>> -> memref<10112x128xf32, #tpu.memory_space<vmem_shared>>
        tpu.enqueue_indirect_dma source(%arg11 : memref<80x128xf32, #tpu.memory_space<vmem>>) target(%dma_start3A_31 : memref<10112x128xf32, #tpu.memory_space<vmem_shared>>) offsets(%arg9 : memref<80xi32, #tpu.memory_space<vmem>>) semaphore(%run_scoped3A : memref<!tpu.dma_semaphore, #tpu.memory_space<semaphore_mem>>) {add = true}
        %dma_wait3A = arith.constant 0 : i32
        %dma_wait3A_32 = arith.constant 0 : i32
        %dma_wait3A_33 = tpu.memref_slice %arg13[%dma_wait3A, %dma_wait3A_32] : memref<10112x128xf32, #tpu.memory_space<vmem_shared>> -> memref<10112x128xf32, #tpu.memory_space<vmem_shared>>
        tpu.wait_indirect_dma semaphore(%run_scoped3A : memref<!tpu.dma_semaphore, #tpu.memory_space<semaphore_mem>>) src(%arg11 : memref<80x128xf32, #tpu.memory_space<vmem>>) dst(%dma_wait3A_33 : memref<10112x128xf32, #tpu.memory_space<vmem_shared>>)
        tpu.yield
      }) : () -> ()
      "tpu.region"() ({
        %run_scoped3A = tpu.sem_alloc : memref<!tpu.dma_semaphore, #tpu.memory_space<semaphore_mem>>
        %dma_start3A = arith.constant 0 : i32
        %dma_start3A_30 = arith.constant 0 : i32
        %dma_start3A_31 = tpu.memref_slice %arg14[%dma_start3A, %dma_start3A_30] : memref<10112x16xf32, #tpu.memory_space<vmem_shared>> -> memref<10112x16xf32, #tpu.memory_space<vmem_shared>>
        tpu.enqueue_indirect_dma source(%arg12 : memref<80x16xf32, #tpu.memory_space<vmem>>) target(%dma_start3A_31 : memref<10112x16xf32, #tpu.memory_space<vmem_shared>>) offsets(%arg9 : memref<80xi32, #tpu.memory_space<vmem>>) semaphore(%run_scoped3A : memref<!tpu.dma_semaphore, #tpu.memory_space<semaphore_mem>>) {add = true}
        %dma_wait3A = arith.constant 0 : i32
        %dma_wait3A_32 = arith.constant 0 : i32
        %dma_wait3A_33 = tpu.memref_slice %arg14[%dma_wait3A, %dma_wait3A_32] : memref<10112x16xf32, #tpu.memory_space<vmem_shared>> -> memref<10112x16xf32, #tpu.memory_space<vmem_shared>>
        tpu.wait_indirect_dma semaphore(%run_scoped3A : memref<!tpu.dma_semaphore, #tpu.memory_space<semaphore_mem>>) src(%arg12 : memref<80x16xf32, #tpu.memory_space<vmem>>) dst(%dma_wait3A_33 : memref<10112x16xf32, #tpu.memory_space<vmem_shared>>)
        tpu.yield
      }) : () -> ()
    }
    %scan3A_15 = arith.constant 125 : i32
    %barrier3A_16 = arith.constant 0 : index
    tpu.barrier barrier_id(%barrier3A_16)
    %mul3A_17 = arith.constant 10112 : i32
    %mul3A_18 = arith.muli %arg0, %mul3A_17 : i32
    %add3A_19 = arith.addi %mul3A_18, %mul3A_2 : i32
    %scan3A_20 = arith.constant 0 : i32
    %scan3A_21 = arith.constant 0 : i32
    %scan3A_22 = arith.constant 7 : i32
    %scan3A_23 = arith.addi %scan3A_21, %scan3A_22 : i32
    %scan3A_24 = arith.constant 1 : i32
    scf.for %scan3A_26 = %scan3A_21 to %scan3A_23 step %scan3A_24  : i32 {
      %mul3A_27 = arith.constant 80 : i32
      %mul3A_28 = arith.muli %scan3A_26, %mul3A_27 : i32
      %add3A_29 = arith.addi %mul3A_2, %mul3A_28 : i32
      %add3A_30 = arith.constant 0 : i32
      %add3A_31 = arith.addi %add3A_29, %add3A_30 : i32
      %add3A_32 = vector.broadcast %add3A_31 : i32 to vector<16xi32>
      %add3A_33 = arith.addi %iota3A, %add3A_32 : vector<16xi32>
      %swap3A = arith.constant 0 : index
      %swap3A_34 = tpu.vector_load %arg10[%swap3A] {strides = array<i32>} : memref<80xi32, #tpu.memory_space<vmem>>, vector<16xi32>,
      %swap3A_35 = vector.shape_cast %swap3A_34 : vector<16xi32> to vector<16xi32>
      %swap3A_36 = vector.shape_cast %add3A_33 : vector<16xi32> to vector<16xi32>
      tpu.vector_store %arg10[%swap3A], %swap3A_36 {strides = array<i32>} : memref<80xi32, #tpu.memory_space<vmem>>, vector<16xi32>,
      %add3A_37 = arith.constant 16 : i32
      %add3A_38 = arith.addi %add3A_29, %add3A_37 : i32
      %add3A_39 = vector.broadcast %add3A_38 : i32 to vector<16xi32>
      %add3A_40 = arith.addi %iota3A, %add3A_39 : vector<16xi32>
      %swap3A_41 = arith.constant 16 : index
      %swap3A_42 = tpu.vector_load %arg10[%swap3A_41] {strides = array<i32>} : memref<80xi32, #tpu.memory_space<vmem>>, vector<16xi32>,
      %swap3A_43 = vector.shape_cast %swap3A_42 : vector<16xi32> to vector<16xi32>
      %swap3A_44 = vector.shape_cast %add3A_40 : vector<16xi32> to vector<16xi32>
      tpu.vector_store %arg10[%swap3A_41], %swap3A_44 {strides = array<i32>} : memref<80xi32, #tpu.memory_space<vmem>>, vector<16xi32>,
      %add3A_45 = arith.constant 32 : i32
      %add3A_46 = arith.addi %add3A_29, %add3A_45 : i32
      %add3A_47 = vector.broadcast %add3A_46 : i32 to vector<16xi32>
      %add3A_48 = arith.addi %iota3A, %add3A_47 : vector<16xi32>
      %swap3A_49 = arith.constant 32 : index
      %swap3A_50 = tpu.vector_load %arg10[%swap3A_49] {strides = array<i32>} : memref<80xi32, #tpu.memory_space<vmem>>, vector<16xi32>,
      %swap3A_51 = vector.shape_cast %swap3A_50 : vector<16xi32> to vector<16xi32>
      %swap3A_52 = vector.shape_cast %add3A_48 : vector<16xi32> to vector<16xi32>
      tpu.vector_store %arg10[%swap3A_49], %swap3A_52 {strides = array<i32>} : memref<80xi32, #tpu.memory_space<vmem>>, vector<16xi32>,
      %add3A_53 = arith.constant 48 : i32
      %add3A_54 = arith.addi %add3A_29, %add3A_53 : i32
      %add3A_55 = vector.broadcast %add3A_54 : i32 to vector<16xi32>
      %add3A_56 = arith.addi %iota3A, %add3A_55 : vector<16xi32>
      %swap3A_57 = arith.constant 48 : index
      %swap3A_58 = tpu.vector_load %arg10[%swap3A_57] {strides = array<i32>} : memref<80xi32, #tpu.memory_space<vmem>>, vector<16xi32>,
      %swap3A_59 = vector.shape_cast %swap3A_58 : vector<16xi32> to vector<16xi32>
      %swap3A_60 = vector.shape_cast %add3A_56 : vector<16xi32> to vector<16xi32>
      tpu.vector_store %arg10[%swap3A_57], %swap3A_60 {strides = array<i32>} : memref<80xi32, #tpu.memory_space<vmem>>, vector<16xi32>,
      %add3A_61 = arith.constant 64 : i32
      %add3A_62 = arith.addi %add3A_29, %add3A_61 : i32
      %add3A_63 = vector.broadcast %add3A_62 : i32 to vector<16xi32>
      %add3A_64 = arith.addi %iota3A, %add3A_63 : vector<16xi32>
      %swap3A_65 = arith.constant 64 : index
      %swap3A_66 = tpu.vector_load %arg10[%swap3A_65] {strides = array<i32>} : memref<80xi32, #tpu.memory_space<vmem>>, vector<16xi32>,
      %swap3A_67 = vector.shape_cast %swap3A_66 : vector<16xi32> to vector<16xi32>
      %swap3A_68 = vector.shape_cast %add3A_64 : vector<16xi32> to vector<16xi32>
      tpu.vector_store %arg10[%swap3A_65], %swap3A_68 {strides = array<i32>} : memref<80xi32, #tpu.memory_space<vmem>>, vector<16xi32>,
      %mul3A_69 = arith.constant 80 : i32
      %mul3A_70 = arith.muli %scan3A_26, %mul3A_69 : i32
      %add3A_71 = arith.addi %add3A_19, %mul3A_70 : i32
      "tpu.region"() ({
        %run_scoped3A = tpu.sem_alloc : memref<!tpu.dma_semaphore, #tpu.memory_space<semaphore_mem>>
        %dma_start3A = arith.constant 0 : i32
        %dma_start3A_72 = arith.constant 0 : i32
        %dma_start3A_73 = tpu.memref_slice %arg13[%dma_start3A, %dma_start3A_72] : memref<10112x128xf32, #tpu.memory_space<vmem_shared>> -> memref<10112x128xf32, #tpu.memory_space<vmem_shared>>
        tpu.enqueue_indirect_dma source(%dma_start3A_73 : memref<10112x128xf32, #tpu.memory_space<vmem_shared>>) target(%arg11 : memref<80x128xf32, #tpu.memory_space<vmem>>) offsets(%arg10 : memref<80xi32, #tpu.memory_space<vmem>>) semaphore(%run_scoped3A : memref<!tpu.dma_semaphore, #tpu.memory_space<semaphore_mem>>)
        %dma_wait3A = arith.constant 0 : i32
        %dma_wait3A_74 = arith.constant 0 : i32
        %dma_wait3A_75 = tpu.memref_slice %arg13[%dma_wait3A, %dma_wait3A_74] : memref<10112x128xf32, #tpu.memory_space<vmem_shared>> -> memref<10112x128xf32, #tpu.memory_space<vmem_shared>>
        tpu.wait_indirect_dma semaphore(%run_scoped3A : memref<!tpu.dma_semaphore, #tpu.memory_space<semaphore_mem>>) src(%dma_wait3A_75 : memref<10112x128xf32, #tpu.memory_space<vmem_shared>>) dst(%arg11 : memref<80x128xf32, #tpu.memory_space<vmem>>)
        tpu.yield
      }) : () -> ()
      "tpu.region"() ({
        %run_scoped3A = tpu.sem_alloc : memref<!tpu.dma_semaphore, #tpu.memory_space<semaphore_mem>>
        %dma_start3A = arith.constant 0 : i32
        %dma_start3A_72 = tpu.memref_slice %arg7[%add3A_71, %dma_start3A] : memref<20224x128xf32, #tpu.memory_space<hbm>> -> memref<80x128xf32, #tpu.memory_space<hbm>>
        %dma_start3A_73 = arith.constant 0 : i32
        %dma_start3A_74 = tpu.memref_slice %arg7[%add3A_71, %dma_start3A_73] : memref<20224x128xf32, #tpu.memory_space<hbm>> -> memref<80x128xf32, #tpu.memory_space<hbm>>
        tpu.enqueue_dma source(%arg11 : memref<80x128xf32, #tpu.memory_space<vmem>>) target(%dma_start3A_74 : memref<80x128xf32, #tpu.memory_space<hbm>>) target_semaphore(%run_scoped3A : memref<!tpu.dma_semaphore, #tpu.memory_space<semaphore_mem>>)
        %dma_wait3A = arith.constant 0 : i32
        %dma_wait3A_75 = tpu.memref_slice %arg7[%add3A_71, %dma_wait3A] : memref<20224x128xf32, #tpu.memory_space<hbm>> -> memref<80x128xf32, #tpu.memory_space<hbm>>
        %dma_wait3A_76 = arith.constant 0 : i32
        %dma_wait3A_77 = tpu.memref_slice %arg7[%add3A_71, %dma_wait3A_76] : memref<20224x128xf32, #tpu.memory_space<hbm>> -> memref<80x128xf32, #tpu.memory_space<hbm>>
        tpu.wait_dma2 semaphore(%run_scoped3A : memref<!tpu.dma_semaphore, #tpu.memory_space<semaphore_mem>>) src(%arg11 : memref<80x128xf32, #tpu.memory_space<vmem>>) dst(%dma_wait3A_77 : memref<80x128xf32, #tpu.memory_space<hbm>>)
        tpu.yield
      }) : () -> ()
      "tpu.region"() ({
        %run_scoped3A = tpu.sem_alloc : memref<!tpu.dma_semaphore, #tpu.memory_space<semaphore_mem>>
        %dma_start3A = arith.constant 0 : i32
        %dma_start3A_72 = arith.constant 0 : i32
        %dma_start3A_73 = tpu.memref_slice %arg14[%dma_start3A, %dma_start3A_72] : memref<10112x16xf32, #tpu.memory_space<vmem_shared>> -> memref<10112x16xf32, #tpu.memory_space<vmem_shared>>
        tpu.enqueue_indirect_dma source(%dma_start3A_73 : memref<10112x16xf32, #tpu.memory_space<vmem_shared>>) target(%arg12 : memref<80x16xf32, #tpu.memory_space<vmem>>) offsets(%arg10 : memref<80xi32, #tpu.memory_space<vmem>>) semaphore(%run_scoped3A : memref<!tpu.dma_semaphore, #tpu.memory_space<semaphore_mem>>)
        %dma_wait3A = arith.constant 0 : i32
        %dma_wait3A_74 = arith.constant 0 : i32
        %dma_wait3A_75 = tpu.memref_slice %arg14[%dma_wait3A, %dma_wait3A_74] : memref<10112x16xf32, #tpu.memory_space<vmem_shared>> -> memref<10112x16xf32, #tpu.memory_space<vmem_shared>>
        tpu.wait_indirect_dma semaphore(%run_scoped3A : memref<!tpu.dma_semaphore, #tpu.memory_space<semaphore_mem>>) src(%dma_wait3A_75 : memref<10112x16xf32, #tpu.memory_space<vmem_shared>>) dst(%arg12 : memref<80x16xf32, #tpu.memory_space<vmem>>)
        tpu.yield
      }) : () -> ()
      "tpu.region"() ({
        %run_scoped3A = tpu.sem_alloc : memref<!tpu.dma_semaphore, #tpu.memory_space<semaphore_mem>>
        %dma_start3A = arith.constant 0 : i32
        %dma_start3A_72 = tpu.memref_slice %arg8[%add3A_71, %dma_start3A] : memref<20224x16xf32, #tpu.memory_space<hbm>> -> memref<80x16xf32, #tpu.memory_space<hbm>>
        %dma_start3A_73 = arith.constant 0 : i32
        %dma_start3A_74 = tpu.memref_slice %arg8[%add3A_71, %dma_start3A_73] : memref<20224x16xf32, #tpu.memory_space<hbm>> -> memref<80x16xf32, #tpu.memory_space<hbm>>
        tpu.enqueue_dma source(%arg12 : memref<80x16xf32, #tpu.memory_space<vmem>>) target(%dma_start3A_74 : memref<80x16xf32, #tpu.memory_space<hbm>>) target_semaphore(%run_scoped3A : memref<!tpu.dma_semaphore, #tpu.memory_space<semaphore_mem>>)
        %dma_wait3A = arith.constant 0 : i32
        %dma_wait3A_75 = tpu.memref_slice %arg8[%add3A_71, %dma_wait3A] : memref<20224x16xf32, #tpu.memory_space<hbm>> -> memref<80x16xf32, #tpu.memory_space<hbm>>
        %dma_wait3A_76 = arith.constant 0 : i32
        %dma_wait3A_77 = tpu.memref_slice %arg8[%add3A_71, %dma_wait3A_76] : memref<20224x16xf32, #tpu.memory_space<hbm>> -> memref<80x16xf32, #tpu.memory_space<hbm>>
        tpu.wait_dma2 semaphore(%run_scoped3A : memref<!tpu.dma_semaphore, #tpu.memory_space<semaphore_mem>>) src(%arg12 : memref<80x16xf32, #tpu.memory_space<vmem>>) dst(%dma_wait3A_77 : memref<80x16xf32, #tpu.memory_space<hbm>>)
        tpu.yield
      }) : () -> ()
    }
    %scan3A_25 = arith.constant 7 : i32
    return
  }
}

module attributes {stable_mosaic.version = 14 : i64} {
  func.func @_mlp_kernel(%arg0: i32, %arg1: memref<2000x128xf32, #tpu.memory_space<vmem>>, %arg2: memref<128x128xf32, #tpu.memory_space<vmem>>, %arg3: memref<1x128xf32, #tpu.memory_space<vmem>>, %arg4: memref<128x128xf32, #tpu.memory_space<vmem>>, %arg5: memref<1x128xf32, #tpu.memory_space<vmem>>, %arg6: memref<128x128xf32, #tpu.memory_space<vmem>>, %arg7: memref<1x128xf32, #tpu.memory_space<vmem>>, %arg8: memref<128x128xf32, #tpu.memory_space<vmem>>, %arg9: memref<1x128xf32, #tpu.memory_space<vmem>>, %arg10: memref<2000x128xf32, #tpu.memory_space<vmem>>) attributes {dimension_semantics = [#tpu.dimension_semantics<arbitrary>], iteration_bounds = array<i64: 5>, scalar_prefetch = 0 : i64, scratch_operands = 0 : i64, tpu.core_type = #tpu.core_type<tc>, window_params = [{transform_indices = @transform_0, window_bounds = array<i64: 2000, 128>}, {pipeline_mode = #tpu.pipeline_mode<synchronous>, transform_indices = @transform_1, window_bounds = array<i64: 128, 128>}, {pipeline_mode = #tpu.pipeline_mode<synchronous>, transform_indices = @transform_2, window_bounds = array<i64: 1, 128>}, {pipeline_mode = #tpu.pipeline_mode<synchronous>, transform_indices = @transform_3, window_bounds = array<i64: 128, 128>}, {pipeline_mode = #tpu.pipeline_mode<synchronous>, transform_indices = @transform_4, window_bounds = array<i64: 1, 128>}, {pipeline_mode = #tpu.pipeline_mode<synchronous>, transform_indices = @transform_5, window_bounds = array<i64: 128, 128>}, {pipeline_mode = #tpu.pipeline_mode<synchronous>, transform_indices = @transform_6, window_bounds = array<i64: 1, 128>}, {pipeline_mode = #tpu.pipeline_mode<synchronous>, transform_indices = @transform_7, window_bounds = array<i64: 128, 128>}, {pipeline_mode = #tpu.pipeline_mode<synchronous>, transform_indices = @transform_8, window_bounds = array<i64: 1, 128>}, {transform_indices = @transform_9, window_bounds = array<i64: 2000, 128>}]} {
    %get3A = arith.constant 0 : index
    %get3A_0 = arith.constant 0 : index
    %get3A_1 = vector.load %arg1[%get3A, %get3A_0] : memref<2000x128xf32, #tpu.memory_space<vmem>>, vector<2000x128xf32>
    %get3A_2 = arith.constant 0 : index
    %get3A_3 = arith.constant 0 : index
    %get3A_4 = vector.load %arg2[%get3A_2, %get3A_3] : memref<128x128xf32, #tpu.memory_space<vmem>>, vector<128x128xf32>
    %dot_general3A = arith.constant dense<0.000000e+00> : vector<2000x128xf32>
    %dot_general3A_5 = tpu.matmul %get3A_1, %get3A_4, %dot_general3A {dimension_numbers = #tpu.dot_dimension_numbers<[1], [0], [0], [1], [0, 0, 1, 1], [], []>, transpose_lhs_hint = false} : vector<2000x128xf32>, vector<128x128xf32>, vector<2000x128xf32> -> vector<2000x128xf32>
    %get3A_6 = arith.constant 0 : index
    %get3A_7 = arith.constant 0 : index
    %get3A_8 = vector.load %arg3[%get3A_6, %get3A_7] : memref<1x128xf32, #tpu.memory_space<vmem>>, vector<1x128xf32>
    %get3A_9 = arith.constant 0 : index
    %get3A_10 = arith.constant 0 : index
    %get3A_11 = vector.load %arg4[%get3A_9, %get3A_10] : memref<128x128xf32, #tpu.memory_space<vmem>>, vector<128x128xf32>
    %get3A_12 = arith.constant 0 : index
    %get3A_13 = arith.constant 0 : index
    %get3A_14 = vector.load %arg5[%get3A_12, %get3A_13] : memref<1x128xf32, #tpu.memory_space<vmem>>, vector<1x128xf32>
    %get3A_15 = arith.constant 0 : index
    %get3A_16 = arith.constant 0 : index
    %get3A_17 = vector.load %arg6[%get3A_15, %get3A_16] : memref<128x128xf32, #tpu.memory_space<vmem>>, vector<128x128xf32>
    %get3A_18 = arith.constant 0 : index
    %get3A_19 = arith.constant 0 : index
    %get3A_20 = vector.load %arg7[%get3A_18, %get3A_19] : memref<1x128xf32, #tpu.memory_space<vmem>>, vector<1x128xf32>
    %add3A = vector.broadcast %get3A_8 : vector<1x128xf32> to vector<2000x128xf32>
    %add3A_21 = arith.addf %dot_general3A_5, %add3A : vector<2000x128xf32>
    %max3A = arith.constant 0.000000e+00 : f32
    %max3A_22 = vector.broadcast %max3A : f32 to vector<2000x128xf32>
    %max3A_23 = arith.maximumf %add3A_21, %max3A_22 : vector<2000x128xf32>
    %dot_general3A_24 = arith.constant dense<0.000000e+00> : vector<2000x128xf32>
    %dot_general3A_25 = tpu.matmul %max3A_23, %get3A_11, %dot_general3A_24 {dimension_numbers = #tpu.dot_dimension_numbers<[1], [0], [0], [1], [0, 0, 1, 1], [], []>, transpose_lhs_hint = false} : vector<2000x128xf32>, vector<128x128xf32>, vector<2000x128xf32> -> vector<2000x128xf32>
    %add3A_26 = vector.broadcast %get3A_14 : vector<1x128xf32> to vector<2000x128xf32>
    %add3A_27 = arith.addf %dot_general3A_25, %add3A_26 : vector<2000x128xf32>
    %max3A_28 = arith.constant 0.000000e+00 : f32
    %max3A_29 = vector.broadcast %max3A_28 : f32 to vector<2000x128xf32>
    %max3A_30 = arith.maximumf %add3A_27, %max3A_29 : vector<2000x128xf32>
    %dot_general3A_31 = arith.constant dense<0.000000e+00> : vector<2000x128xf32>
    %dot_general3A_32 = tpu.matmul %max3A_30, %get3A_17, %dot_general3A_31 {dimension_numbers = #tpu.dot_dimension_numbers<[1], [0], [0], [1], [0, 0, 1, 1], [], []>, transpose_lhs_hint = false} : vector<2000x128xf32>, vector<128x128xf32>, vector<2000x128xf32> -> vector<2000x128xf32>
    %add3A_33 = vector.broadcast %get3A_20 : vector<1x128xf32> to vector<2000x128xf32>
    %add3A_34 = arith.addf %dot_general3A_32, %add3A_33 : vector<2000x128xf32>
    %add3A_35 = arith.addf %max3A_23, %add3A_34 : vector<2000x128xf32>
    %get3A_36 = arith.constant 0 : index
    %get3A_37 = arith.constant 0 : index
    %get3A_38 = vector.load %arg8[%get3A_36, %get3A_37] : memref<128x128xf32, #tpu.memory_space<vmem>>, vector<128x128xf32>
    %dot_general3A_39 = arith.constant dense<0.000000e+00> : vector<2000x128xf32>
    %dot_general3A_40 = tpu.matmul %add3A_35, %get3A_38, %dot_general3A_39 {dimension_numbers = #tpu.dot_dimension_numbers<[1], [0], [0], [1], [0, 0, 1, 1], [], []>, transpose_lhs_hint = false} : vector<2000x128xf32>, vector<128x128xf32>, vector<2000x128xf32> -> vector<2000x128xf32>
    %get3A_41 = arith.constant 0 : index
    %get3A_42 = arith.constant 0 : index
    %get3A_43 = vector.load %arg9[%get3A_41, %get3A_42] : memref<1x128xf32, #tpu.memory_space<vmem>>, vector<1x128xf32>
    %add3A_44 = vector.broadcast %get3A_43 : vector<1x128xf32> to vector<2000x128xf32>
    %add3A_45 = arith.addf %dot_general3A_40, %add3A_44 : vector<2000x128xf32>
    %swap3A = arith.constant 0 : index
    %swap3A_46 = arith.constant 0 : index
    %swap3A_47 = vector.load %arg10[%swap3A, %swap3A_46] : memref<2000x128xf32, #tpu.memory_space<vmem>>, vector<2000x128xf32>
    tpu.vector_store %arg10[%swap3A, %swap3A_46], %add3A_45 {strides = array<i32>} : memref<2000x128xf32, #tpu.memory_space<vmem>>, vector<2000x128xf32>,
    return
  }
  func.func @transform_0(%arg0: i32) -> (i32, i32) {
    %c0_i32 = arith.constant 0 : i32
    %c0_i32_0 = arith.constant 0 : i32
    return %arg0, %c0_i32 : i32, i32
  }
  func.func @transform_1(%arg0: i32) -> (i32, i32) {
    %c0_i32 = arith.constant 0 : i32
    %c0_i32_0 = arith.constant 0 : i32
    %c0_i32_1 = arith.constant 0 : i32
    return %c0_i32, %c0_i32_0 : i32, i32
  }
  func.func @transform_2(%arg0: i32) -> (i32, i32) {
    %c0_i32 = arith.constant 0 : i32
    %c0_i32_0 = arith.constant 0 : i32
    %c0_i32_1 = arith.constant 0 : i32
    return %c0_i32, %c0_i32_0 : i32, i32
  }
  func.func @transform_3(%arg0: i32) -> (i32, i32) {
    %c0_i32 = arith.constant 0 : i32
    %c0_i32_0 = arith.constant 0 : i32
    %c0_i32_1 = arith.constant 0 : i32
    return %c0_i32, %c0_i32_0 : i32, i32
  }
  func.func @transform_4(%arg0: i32) -> (i32, i32) {
    %c0_i32 = arith.constant 0 : i32
    %c0_i32_0 = arith.constant 0 : i32
    %c0_i32_1 = arith.constant 0 : i32
    return %c0_i32, %c0_i32_0 : i32, i32
  }
  func.func @transform_5(%arg0: i32) -> (i32, i32) {
    %c0_i32 = arith.constant 0 : i32
    %c0_i32_0 = arith.constant 0 : i32
    %c0_i32_1 = arith.constant 0 : i32
    return %c0_i32, %c0_i32_0 : i32, i32
  }
  func.func @transform_6(%arg0: i32) -> (i32, i32) {
    %c0_i32 = arith.constant 0 : i32
    %c0_i32_0 = arith.constant 0 : i32
    %c0_i32_1 = arith.constant 0 : i32
    return %c0_i32, %c0_i32_0 : i32, i32
  }
  func.func @transform_7(%arg0: i32) -> (i32, i32) {
    %c0_i32 = arith.constant 0 : i32
    %c0_i32_0 = arith.constant 0 : i32
    %c0_i32_1 = arith.constant 0 : i32
    return %c0_i32, %c0_i32_0 : i32, i32
  }
  func.func @transform_8(%arg0: i32) -> (i32, i32) {
    %c0_i32 = arith.constant 0 : i32
    %c0_i32_0 = arith.constant 0 : i32
    %c0_i32_1 = arith.constant 0 : i32
    return %c0_i32, %c0_i32_0 : i32, i32
  }
  func.func @transform_9(%arg0: i32) -> (i32, i32) {
    %c0_i32 = arith.constant 0 : i32
    %c0_i32_0 = arith.constant 0 : i32
    return %arg0, %c0_i32 : i32, i32
  }
}

module attributes {stable_mosaic.version = 14 : i64} {
  func.func @_mlp_kernel(%arg0: i32, %arg1: memref<2000x16xf32, #tpu.memory_space<vmem>>, %arg2: memref<16x128xf32, #tpu.memory_space<vmem>>, %arg3: memref<1x128xf32, #tpu.memory_space<vmem>>, %arg4: memref<128x128xf32, #tpu.memory_space<vmem>>, %arg5: memref<1x128xf32, #tpu.memory_space<vmem>>, %arg6: memref<128x128xf32, #tpu.memory_space<vmem>>, %arg7: memref<1x128xf32, #tpu.memory_space<vmem>>, %arg8: memref<128x128xf32, #tpu.memory_space<vmem>>, %arg9: memref<1x128xf32, #tpu.memory_space<vmem>>, %arg10: memref<2000x128xf32, #tpu.memory_space<vmem>>) attributes {dimension_semantics = [#tpu.dimension_semantics<arbitrary>], iteration_bounds = array<i64: 160>, scalar_prefetch = 0 : i64, scratch_operands = 0 : i64, tpu.core_type = #tpu.core_type<tc>, window_params = [{transform_indices = @transform_0, window_bounds = array<i64: 2000, 16>}, {pipeline_mode = #tpu.pipeline_mode<synchronous>, transform_indices = @transform_1, window_bounds = array<i64: 16, 128>}, {pipeline_mode = #tpu.pipeline_mode<synchronous>, transform_indices = @transform_2, window_bounds = array<i64: 1, 128>}, {pipeline_mode = #tpu.pipeline_mode<synchronous>, transform_indices = @transform_3, window_bounds = array<i64: 128, 128>}, {pipeline_mode = #tpu.pipeline_mode<synchronous>, transform_indices = @transform_4, window_bounds = array<i64: 1, 128>}, {pipeline_mode = #tpu.pipeline_mode<synchronous>, transform_indices = @transform_5, window_bounds = array<i64: 128, 128>}, {pipeline_mode = #tpu.pipeline_mode<synchronous>, transform_indices = @transform_6, window_bounds = array<i64: 1, 128>}, {pipeline_mode = #tpu.pipeline_mode<synchronous>, transform_indices = @transform_7, window_bounds = array<i64: 128, 128>}, {pipeline_mode = #tpu.pipeline_mode<synchronous>, transform_indices = @transform_8, window_bounds = array<i64: 1, 128>}, {transform_indices = @transform_9, window_bounds = array<i64: 2000, 128>}]} {
    %get3A = arith.constant 0 : index
    %get3A_0 = arith.constant 0 : index
    %get3A_1 = vector.load %arg1[%get3A, %get3A_0] : memref<2000x16xf32, #tpu.memory_space<vmem>>, vector<2000x16xf32>
    %get3A_2 = arith.constant 0 : index
    %get3A_3 = arith.constant 0 : index
    %get3A_4 = vector.load %arg2[%get3A_2, %get3A_3] : memref<16x128xf32, #tpu.memory_space<vmem>>, vector<16x128xf32>
    %dot_general3A = arith.constant dense<0.000000e+00> : vector<2000x128xf32>
    %dot_general3A_5 = tpu.matmul %get3A_1, %get3A_4, %dot_general3A {dimension_numbers = #tpu.dot_dimension_numbers<[1], [0], [0], [1], [0, 0, 1, 1], [], []>, transpose_lhs_hint = false} : vector<2000x16xf32>, vector<16x128xf32>, vector<2000x128xf32> -> vector<2000x128xf32>
    %get3A_6 = arith.constant 0 : index
    %get3A_7 = arith.constant 0 : index
    %get3A_8 = vector.load %arg3[%get3A_6, %get3A_7] : memref<1x128xf32, #tpu.memory_space<vmem>>, vector<1x128xf32>
    %get3A_9 = arith.constant 0 : index
    %get3A_10 = arith.constant 0 : index
    %get3A_11 = vector.load %arg4[%get3A_9, %get3A_10] : memref<128x128xf32, #tpu.memory_space<vmem>>, vector<128x128xf32>
    %get3A_12 = arith.constant 0 : index
    %get3A_13 = arith.constant 0 : index
    %get3A_14 = vector.load %arg5[%get3A_12, %get3A_13] : memref<1x128xf32, #tpu.memory_space<vmem>>, vector<1x128xf32>
    %get3A_15 = arith.constant 0 : index
    %get3A_16 = arith.constant 0 : index
    %get3A_17 = vector.load %arg6[%get3A_15, %get3A_16] : memref<128x128xf32, #tpu.memory_space<vmem>>, vector<128x128xf32>
    %get3A_18 = arith.constant 0 : index
    %get3A_19 = arith.constant 0 : index
    %get3A_20 = vector.load %arg7[%get3A_18, %get3A_19] : memref<1x128xf32, #tpu.memory_space<vmem>>, vector<1x128xf32>
    %add3A = vector.broadcast %get3A_8 : vector<1x128xf32> to vector<2000x128xf32>
    %add3A_21 = arith.addf %dot_general3A_5, %add3A : vector<2000x128xf32>
    %max3A = arith.constant 0.000000e+00 : f32
    %max3A_22 = vector.broadcast %max3A : f32 to vector<2000x128xf32>
    %max3A_23 = arith.maximumf %add3A_21, %max3A_22 : vector<2000x128xf32>
    %dot_general3A_24 = arith.constant dense<0.000000e+00> : vector<2000x128xf32>
    %dot_general3A_25 = tpu.matmul %max3A_23, %get3A_11, %dot_general3A_24 {dimension_numbers = #tpu.dot_dimension_numbers<[1], [0], [0], [1], [0, 0, 1, 1], [], []>, transpose_lhs_hint = false} : vector<2000x128xf32>, vector<128x128xf32>, vector<2000x128xf32> -> vector<2000x128xf32>
    %add3A_26 = vector.broadcast %get3A_14 : vector<1x128xf32> to vector<2000x128xf32>
    %add3A_27 = arith.addf %dot_general3A_25, %add3A_26 : vector<2000x128xf32>
    %max3A_28 = arith.constant 0.000000e+00 : f32
    %max3A_29 = vector.broadcast %max3A_28 : f32 to vector<2000x128xf32>
    %max3A_30 = arith.maximumf %add3A_27, %max3A_29 : vector<2000x128xf32>
    %dot_general3A_31 = arith.constant dense<0.000000e+00> : vector<2000x128xf32>
    %dot_general3A_32 = tpu.matmul %max3A_30, %get3A_17, %dot_general3A_31 {dimension_numbers = #tpu.dot_dimension_numbers<[1], [0], [0], [1], [0, 0, 1, 1], [], []>, transpose_lhs_hint = false} : vector<2000x128xf32>, vector<128x128xf32>, vector<2000x128xf32> -> vector<2000x128xf32>
    %add3A_33 = vector.broadcast %get3A_20 : vector<1x128xf32> to vector<2000x128xf32>
    %add3A_34 = arith.addf %dot_general3A_32, %add3A_33 : vector<2000x128xf32>
    %add3A_35 = arith.addf %max3A_23, %add3A_34 : vector<2000x128xf32>
    %get3A_36 = arith.constant 0 : index
    %get3A_37 = arith.constant 0 : index
    %get3A_38 = vector.load %arg8[%get3A_36, %get3A_37] : memref<128x128xf32, #tpu.memory_space<vmem>>, vector<128x128xf32>
    %dot_general3A_39 = arith.constant dense<0.000000e+00> : vector<2000x128xf32>
    %dot_general3A_40 = tpu.matmul %add3A_35, %get3A_38, %dot_general3A_39 {dimension_numbers = #tpu.dot_dimension_numbers<[1], [0], [0], [1], [0, 0, 1, 1], [], []>, transpose_lhs_hint = false} : vector<2000x128xf32>, vector<128x128xf32>, vector<2000x128xf32> -> vector<2000x128xf32>
    %get3A_41 = arith.constant 0 : index
    %get3A_42 = arith.constant 0 : index
    %get3A_43 = vector.load %arg9[%get3A_41, %get3A_42] : memref<1x128xf32, #tpu.memory_space<vmem>>, vector<1x128xf32>
    %add3A_44 = vector.broadcast %get3A_43 : vector<1x128xf32> to vector<2000x128xf32>
    %add3A_45 = arith.addf %dot_general3A_40, %add3A_44 : vector<2000x128xf32>
    %swap3A = arith.constant 0 : index
    %swap3A_46 = arith.constant 0 : index
    %swap3A_47 = vector.load %arg10[%swap3A, %swap3A_46] : memref<2000x128xf32, #tpu.memory_space<vmem>>, vector<2000x128xf32>
    tpu.vector_store %arg10[%swap3A, %swap3A_46], %add3A_45 {strides = array<i32>} : memref<2000x128xf32, #tpu.memory_space<vmem>>, vector<2000x128xf32>,
    return
  }
  func.func @transform_0(%arg0: i32) -> (i32, i32) {
    %c0_i32 = arith.constant 0 : i32
    %c0_i32_0 = arith.constant 0 : i32
    return %arg0, %c0_i32 : i32, i32
  }
  func.func @transform_1(%arg0: i32) -> (i32, i32) {
    %c0_i32 = arith.constant 0 : i32
    %c0_i32_0 = arith.constant 0 : i32
    %c0_i32_1 = arith.constant 0 : i32
    return %c0_i32, %c0_i32_0 : i32, i32
  }
  func.func @transform_2(%arg0: i32) -> (i32, i32) {
    %c0_i32 = arith.constant 0 : i32
    %c0_i32_0 = arith.constant 0 : i32
    %c0_i32_1 = arith.constant 0 : i32
    return %c0_i32, %c0_i32_0 : i32, i32
  }
  func.func @transform_3(%arg0: i32) -> (i32, i32) {
    %c0_i32 = arith.constant 0 : i32
    %c0_i32_0 = arith.constant 0 : i32
    %c0_i32_1 = arith.constant 0 : i32
    return %c0_i32, %c0_i32_0 : i32, i32
  }
  func.func @transform_4(%arg0: i32) -> (i32, i32) {
    %c0_i32 = arith.constant 0 : i32
    %c0_i32_0 = arith.constant 0 : i32
    %c0_i32_1 = arith.constant 0 : i32
    return %c0_i32, %c0_i32_0 : i32, i32
  }
  func.func @transform_5(%arg0: i32) -> (i32, i32) {
    %c0_i32 = arith.constant 0 : i32
    %c0_i32_0 = arith.constant 0 : i32
    %c0_i32_1 = arith.constant 0 : i32
    return %c0_i32, %c0_i32_0 : i32, i32
  }
  func.func @transform_6(%arg0: i32) -> (i32, i32) {
    %c0_i32 = arith.constant 0 : i32
    %c0_i32_0 = arith.constant 0 : i32
    %c0_i32_1 = arith.constant 0 : i32
    return %c0_i32, %c0_i32_0 : i32, i32
  }
  func.func @transform_7(%arg0: i32) -> (i32, i32) {
    %c0_i32 = arith.constant 0 : i32
    %c0_i32_0 = arith.constant 0 : i32
    %c0_i32_1 = arith.constant 0 : i32
    return %c0_i32, %c0_i32_0 : i32, i32
  }
  func.func @transform_8(%arg0: i32) -> (i32, i32) {
    %c0_i32 = arith.constant 0 : i32
    %c0_i32_0 = arith.constant 0 : i32
    %c0_i32_1 = arith.constant 0 : i32
    return %c0_i32, %c0_i32_0 : i32, i32
  }
  func.func @transform_9(%arg0: i32) -> (i32, i32) {
    %c0_i32 = arith.constant 0 : i32
    %c0_i32_0 = arith.constant 0 : i32
    return %arg0, %c0_i32 : i32, i32
  }
}

module attributes {stable_mosaic.version = 14 : i64} {
  func.func @_edge_kernel(%arg0: i32, %arg1: memref<2000x128xf32, #tpu.memory_space<vmem>>, %arg2: memref<2000x128xf32, #tpu.memory_space<vmem>>, %arg3: memref<128x128xf32, #tpu.memory_space<vmem>>, %arg4: memref<128x128xf32, #tpu.memory_space<vmem>>, %arg5: memref<1x128xf32, #tpu.memory_space<vmem>>, %arg6: memref<128x128xf32, #tpu.memory_space<vmem>>, %arg7: memref<1x128xf32, #tpu.memory_space<vmem>>, %arg8: memref<128x128xf32, #tpu.memory_space<vmem>>, %arg9: memref<1x128xf32, #tpu.memory_space<vmem>>, %arg10: memref<128x128xf32, #tpu.memory_space<vmem>>, %arg11: memref<1x128xf32, #tpu.memory_space<vmem>>, %arg12: memref<1x128xf32, #tpu.memory_space<vmem>>, %arg13: memref<1x1xf32, #tpu.memory_space<vmem>>, %arg14: memref<2000x128xf32, #tpu.memory_space<vmem>>, %arg15: memref<2000x16xf32, #tpu.memory_space<vmem>>) attributes {dimension_semantics = [#tpu.dimension_semantics<arbitrary>], iteration_bounds = array<i64: 160>, scalar_prefetch = 0 : i64, scratch_operands = 0 : i64, tpu.core_type = #tpu.core_type<tc>, window_params = [{transform_indices = @transform_0, window_bounds = array<i64: 2000, 128>}, {transform_indices = @transform_1, window_bounds = array<i64: 2000, 128>}, {pipeline_mode = #tpu.pipeline_mode<synchronous>, transform_indices = @transform_2, window_bounds = array<i64: 128, 128>}, {pipeline_mode = #tpu.pipeline_mode<synchronous>, transform_indices = @transform_3, window_bounds = array<i64: 128, 128>}, {pipeline_mode = #tpu.pipeline_mode<synchronous>, transform_indices = @transform_4, window_bounds = array<i64: 1, 128>}, {pipeline_mode = #tpu.pipeline_mode<synchronous>, transform_indices = @transform_5, window_bounds = array<i64: 128, 128>}, {pipeline_mode = #tpu.pipeline_mode<synchronous>, transform_indices = @transform_6, window_bounds = array<i64: 1, 128>}, {pipeline_mode = #tpu.pipeline_mode<synchronous>, transform_indices = @transform_7, window_bounds = array<i64: 128, 128>}, {pipeline_mode = #tpu.pipeline_mode<synchronous>, transform_indices = @transform_8, window_bounds = array<i64: 1, 128>}, {pipeline_mode = #tpu.pipeline_mode<synchronous>, transform_indices = @transform_9, window_bounds = array<i64: 128, 128>}, {pipeline_mode = #tpu.pipeline_mode<synchronous>, transform_indices = @transform_10, window_bounds = array<i64: 1, 128>}, {pipeline_mode = #tpu.pipeline_mode<synchronous>, transform_indices = @transform_11, window_bounds = array<i64: 1, 128>}, {pipeline_mode = #tpu.pipeline_mode<synchronous>, transform_indices = @transform_12, window_bounds = array<i64: 1, 1>}, {transform_indices = @transform_13, window_bounds = array<i64: 2000, 128>}, {transform_indices = @transform_14, window_bounds = array<i64: 2000, 16>}]} {
    %get3A = arith.constant 0 : index
    %get3A_0 = arith.constant 0 : index
    %get3A_1 = vector.load %arg1[%get3A, %get3A_0] : memref<2000x128xf32, #tpu.memory_space<vmem>>, vector<2000x128xf32>
    %get3A_2 = arith.constant 0 : index
    %get3A_3 = arith.constant 0 : index
    %get3A_4 = vector.load %arg3[%get3A_2, %get3A_3] : memref<128x128xf32, #tpu.memory_space<vmem>>, vector<128x128xf32>
    %dot_general3A = arith.constant dense<0.000000e+00> : vector<2000x128xf32>
    %dot_general3A_5 = tpu.matmul %get3A_1, %get3A_4, %dot_general3A {dimension_numbers = #tpu.dot_dimension_numbers<[1], [0], [0], [1], [0, 0, 1, 1], [], []>, transpose_lhs_hint = false} : vector<2000x128xf32>, vector<128x128xf32>, vector<2000x128xf32> -> vector<2000x128xf32>
    %get3A_6 = arith.constant 0 : index
    %get3A_7 = arith.constant 0 : index
    %get3A_8 = vector.load %arg2[%get3A_6, %get3A_7] : memref<2000x128xf32, #tpu.memory_space<vmem>>, vector<2000x128xf32>
    %get3A_9 = arith.constant 0 : index
    %get3A_10 = arith.constant 0 : index
    %get3A_11 = vector.load %arg4[%get3A_9, %get3A_10] : memref<128x128xf32, #tpu.memory_space<vmem>>, vector<128x128xf32>
    %dot_general3A_12 = arith.constant dense<0.000000e+00> : vector<2000x128xf32>
    %dot_general3A_13 = tpu.matmul %get3A_8, %get3A_11, %dot_general3A_12 {dimension_numbers = #tpu.dot_dimension_numbers<[1], [0], [0], [1], [0, 0, 1, 1], [], []>, transpose_lhs_hint = false} : vector<2000x128xf32>, vector<128x128xf32>, vector<2000x128xf32> -> vector<2000x128xf32>
    %add3A = arith.addf %dot_general3A_5, %dot_general3A_13 : vector<2000x128xf32>
    %get3A_14 = arith.constant 0 : index
    %get3A_15 = arith.constant 0 : index
    %get3A_16 = vector.load %arg5[%get3A_14, %get3A_15] : memref<1x128xf32, #tpu.memory_space<vmem>>, vector<1x128xf32>
    %get3A_17 = arith.constant 0 : index
    %get3A_18 = arith.constant 0 : index
    %get3A_19 = vector.load %arg6[%get3A_17, %get3A_18] : memref<128x128xf32, #tpu.memory_space<vmem>>, vector<128x128xf32>
    %get3A_20 = arith.constant 0 : index
    %get3A_21 = arith.constant 0 : index
    %get3A_22 = vector.load %arg7[%get3A_20, %get3A_21] : memref<1x128xf32, #tpu.memory_space<vmem>>, vector<1x128xf32>
    %get3A_23 = arith.constant 0 : index
    %get3A_24 = arith.constant 0 : index
    %get3A_25 = vector.load %arg8[%get3A_23, %get3A_24] : memref<128x128xf32, #tpu.memory_space<vmem>>, vector<128x128xf32>
    %get3A_26 = arith.constant 0 : index
    %get3A_27 = arith.constant 0 : index
    %get3A_28 = vector.load %arg9[%get3A_26, %get3A_27] : memref<1x128xf32, #tpu.memory_space<vmem>>, vector<1x128xf32>
    %add3A_29 = vector.broadcast %get3A_16 : vector<1x128xf32> to vector<2000x128xf32>
    %add3A_30 = arith.addf %add3A, %add3A_29 : vector<2000x128xf32>
    %max3A = arith.constant 0.000000e+00 : f32
    %max3A_31 = vector.broadcast %max3A : f32 to vector<2000x128xf32>
    %max3A_32 = arith.maximumf %add3A_30, %max3A_31 : vector<2000x128xf32>
    %dot_general3A_33 = arith.constant dense<0.000000e+00> : vector<2000x128xf32>
    %dot_general3A_34 = tpu.matmul %max3A_32, %get3A_19, %dot_general3A_33 {dimension_numbers = #tpu.dot_dimension_numbers<[1], [0], [0], [1], [0, 0, 1, 1], [], []>, transpose_lhs_hint = false} : vector<2000x128xf32>, vector<128x128xf32>, vector<2000x128xf32> -> vector<2000x128xf32>
    %add3A_35 = vector.broadcast %get3A_22 : vector<1x128xf32> to vector<2000x128xf32>
    %add3A_36 = arith.addf %dot_general3A_34, %add3A_35 : vector<2000x128xf32>
    %max3A_37 = arith.constant 0.000000e+00 : f32
    %max3A_38 = vector.broadcast %max3A_37 : f32 to vector<2000x128xf32>
    %max3A_39 = arith.maximumf %add3A_36, %max3A_38 : vector<2000x128xf32>
    %dot_general3A_40 = arith.constant dense<0.000000e+00> : vector<2000x128xf32>
    %dot_general3A_41 = tpu.matmul %max3A_39, %get3A_25, %dot_general3A_40 {dimension_numbers = #tpu.dot_dimension_numbers<[1], [0], [0], [1], [0, 0, 1, 1], [], []>, transpose_lhs_hint = false} : vector<2000x128xf32>, vector<128x128xf32>, vector<2000x128xf32> -> vector<2000x128xf32>
    %add3A_42 = vector.broadcast %get3A_28 : vector<1x128xf32> to vector<2000x128xf32>
    %add3A_43 = arith.addf %dot_general3A_41, %add3A_42 : vector<2000x128xf32>
    %add3A_44 = arith.addf %max3A_32, %add3A_43 : vector<2000x128xf32>
    %get3A_45 = arith.constant 0 : index
    %get3A_46 = arith.constant 0 : index
    %get3A_47 = vector.load %arg10[%get3A_45, %get3A_46] : memref<128x128xf32, #tpu.memory_space<vmem>>, vector<128x128xf32>
    %dot_general3A_48 = arith.constant dense<0.000000e+00> : vector<2000x128xf32>
    %dot_general3A_49 = tpu.matmul %add3A_44, %get3A_47, %dot_general3A_48 {dimension_numbers = #tpu.dot_dimension_numbers<[1], [0], [0], [1], [0, 0, 1, 1], [], []>, transpose_lhs_hint = false} : vector<2000x128xf32>, vector<128x128xf32>, vector<2000x128xf32> -> vector<2000x128xf32>
    %get3A_50 = arith.constant 0 : index
    %get3A_51 = arith.constant 0 : index
    %get3A_52 = vector.load %arg11[%get3A_50, %get3A_51] : memref<1x128xf32, #tpu.memory_space<vmem>>, vector<1x128xf32>
    %add3A_53 = vector.broadcast %get3A_52 : vector<1x128xf32> to vector<2000x128xf32>
    %add3A_54 = arith.addf %dot_general3A_49, %add3A_53 : vector<2000x128xf32>
    %get3A_55 = arith.constant 0 : index
    %get3A_56 = arith.constant 0 : index
    %get3A_57 = vector.load %arg12[%get3A_55, %get3A_56] : memref<1x128xf32, #tpu.memory_space<vmem>>, vector<1x128xf32>
    %mul3A = vector.broadcast %get3A_57 : vector<1x128xf32> to vector<2000x128xf32>
    %mul3A_58 = arith.mulf %add3A_54, %mul3A : vector<2000x128xf32>
    %reduce_sum3A = arith.constant dense<0.000000e+00> : vector<2000xf32>
    %reduce_sum3A_59 = vector.multi_reduction <add>, %mul3A_58, %reduce_sum3A [1] : vector<2000x128xf32> to vector<2000xf32>
    %broadcast_in_dim3A = vector.shape_cast %reduce_sum3A_59 : vector<2000xf32> to vector<2000x1xf32>
    %get3A_60 = arith.constant 0 : index
    %get3A_61 = arith.constant 0 : index
    %get3A_62 = vector.load %arg13[%get3A_60, %get3A_61] : memref<1x1xf32, #tpu.memory_space<vmem>>, vector<1x1xf32>
    %add3A_63 = vector.broadcast %get3A_62 : vector<1x1xf32> to vector<2000x1xf32>
    %add3A_64 = arith.addf %broadcast_in_dim3A, %add3A_63 : vector<2000x1xf32>
    %max3A_65 = arith.constant 0.000000e+00 : f32
    %max3A_66 = vector.broadcast %max3A_65 : f32 to vector<2000x1xf32>
    %max3A_67 = arith.maximumf %add3A_64, %max3A_66 : vector<2000x1xf32>
    %exp3A = math.exp %max3A_67 : vector<2000x1xf32>
    %mul3A_68 = vector.broadcast %exp3A : vector<2000x1xf32> to vector<2000x128xf32>
    %mul3A_69 = arith.mulf %add3A_54, %mul3A_68 : vector<2000x128xf32>
    %swap3A = arith.constant 0 : index
    %swap3A_70 = arith.constant 0 : index
    %swap3A_71 = vector.load %arg14[%swap3A, %swap3A_70] : memref<2000x128xf32, #tpu.memory_space<vmem>>, vector<2000x128xf32>
    tpu.vector_store %arg14[%swap3A, %swap3A_70], %mul3A_69 {strides = array<i32>} : memref<2000x128xf32, #tpu.memory_space<vmem>>, vector<2000x128xf32>,
    %broadcast_in_dim3A_72 = vector.shape_cast %exp3A : vector<2000x1xf32> to vector<2000x1xf32>
    %broadcast_in_dim3A_73 = vector.broadcast %broadcast_in_dim3A_72 : vector<2000x1xf32> to vector<2000x16xf32>
    %swap3A_74 = arith.constant 0 : index
    %swap3A_75 = arith.constant 0 : index
    %swap3A_76 = vector.load %arg15[%swap3A_74, %swap3A_75] : memref<2000x16xf32, #tpu.memory_space<vmem>>, vector<2000x16xf32>
    tpu.vector_store %arg15[%swap3A_74, %swap3A_75], %broadcast_in_dim3A_73 {strides = array<i32>} : memref<2000x16xf32, #tpu.memory_space<vmem>>, vector<2000x16xf32>,
    return
  }
  func.func @transform_0(%arg0: i32) -> (i32, i32) {
    %c0_i32 = arith.constant 0 : i32
    %c0_i32_0 = arith.constant 0 : i32
    return %arg0, %c0_i32 : i32, i32
  }
  func.func @transform_1(%arg0: i32) -> (i32, i32) {
    %c0_i32 = arith.constant 0 : i32
    %c0_i32_0 = arith.constant 0 : i32
    return %arg0, %c0_i32 : i32, i32
  }
  func.func @transform_2(%arg0: i32) -> (i32, i32) {
    %c0_i32 = arith.constant 0 : i32
    %c0_i32_0 = arith.constant 0 : i32
    %c0_i32_1 = arith.constant 0 : i32
    return %c0_i32, %c0_i32_0 : i32, i32
  }
  func.func @transform_3(%arg0: i32) -> (i32, i32) {
    %c0_i32 = arith.constant 0 : i32
    %c0_i32_0 = arith.constant 0 : i32
    %c0_i32_1 = arith.constant 0 : i32
    return %c0_i32, %c0_i32_0 : i32, i32
  }
  func.func @transform_4(%arg0: i32) -> (i32, i32) {
    %c0_i32 = arith.constant 0 : i32
    %c0_i32_0 = arith.constant 0 : i32
    %c0_i32_1 = arith.constant 0 : i32
    return %c0_i32, %c0_i32_0 : i32, i32
  }
  func.func @transform_5(%arg0: i32) -> (i32, i32) {
    %c0_i32 = arith.constant 0 : i32
    %c0_i32_0 = arith.constant 0 : i32
    %c0_i32_1 = arith.constant 0 : i32
    return %c0_i32, %c0_i32_0 : i32, i32
  }
  func.func @transform_6(%arg0: i32) -> (i32, i32) {
    %c0_i32 = arith.constant 0 : i32
    %c0_i32_0 = arith.constant 0 : i32
    %c0_i32_1 = arith.constant 0 : i32
    return %c0_i32, %c0_i32_0 : i32, i32
  }
  func.func @transform_7(%arg0: i32) -> (i32, i32) {
    %c0_i32 = arith.constant 0 : i32
    %c0_i32_0 = arith.constant 0 : i32
    %c0_i32_1 = arith.constant 0 : i32
    return %c0_i32, %c0_i32_0 : i32, i32
  }
  func.func @transform_8(%arg0: i32) -> (i32, i32) {
    %c0_i32 = arith.constant 0 : i32
    %c0_i32_0 = arith.constant 0 : i32
    %c0_i32_1 = arith.constant 0 : i32
    return %c0_i32, %c0_i32_0 : i32, i32
  }
  func.func @transform_9(%arg0: i32) -> (i32, i32) {
    %c0_i32 = arith.constant 0 : i32
    %c0_i32_0 = arith.constant 0 : i32
    %c0_i32_1 = arith.constant 0 : i32
    return %c0_i32, %c0_i32_0 : i32, i32
  }
  func.func @transform_10(%arg0: i32) -> (i32, i32) {
    %c0_i32 = arith.constant 0 : i32
    %c0_i32_0 = arith.constant 0 : i32
    %c0_i32_1 = arith.constant 0 : i32
    return %c0_i32, %c0_i32_0 : i32, i32
  }
  func.func @transform_11(%arg0: i32) -> (i32, i32) {
    %c0_i32 = arith.constant 0 : i32
    %c0_i32_0 = arith.constant 0 : i32
    %c0_i32_1 = arith.constant 0 : i32
    return %c0_i32, %c0_i32_0 : i32, i32
  }
  func.func @transform_12(%arg0: i32) -> (i32, i32) {
    %c0_i32 = arith.constant 0 : i32
    %c0_i32_0 = arith.constant 0 : i32
    %c0_i32_1 = arith.constant 0 : i32
    return %c0_i32, %c0_i32_0 : i32, i32
  }
  func.func @transform_13(%arg0: i32) -> (i32, i32) {
    %c0_i32 = arith.constant 0 : i32
    %c0_i32_0 = arith.constant 0 : i32
    return %arg0, %c0_i32 : i32, i32
  }
  func.func @transform_14(%arg0: i32) -> (i32, i32) {
    %c0_i32 = arith.constant 0 : i32
    %c0_i32_0 = arith.constant 0 : i32
    return %arg0, %c0_i32 : i32, i32
  }
}

module attributes {stable_mosaic.version = 14 : i64} {
  func.func @_node_kernel(%arg0: i32, %arg1: memref<2000x128xf32, #tpu.memory_space<vmem>>, %arg2: memref<2000x128xf32, #tpu.memory_space<vmem>>, %arg3: memref<2000x128xf32, #tpu.memory_space<vmem>>, %arg4: memref<2000x16xf32, #tpu.memory_space<vmem>>, %arg5: memref<2000x16xf32, #tpu.memory_space<vmem>>, %arg6: memref<128x128xf32, #tpu.memory_space<vmem>>, %arg7: memref<128x128xf32, #tpu.memory_space<vmem>>, %arg8: memref<1x128xf32, #tpu.memory_space<vmem>>, %arg9: memref<128x128xf32, #tpu.memory_space<vmem>>, %arg10: memref<1x128xf32, #tpu.memory_space<vmem>>, %arg11: memref<128x128xf32, #tpu.memory_space<vmem>>, %arg12: memref<1x128xf32, #tpu.memory_space<vmem>>, %arg13: memref<128x128xf32, #tpu.memory_space<vmem>>, %arg14: memref<1x128xf32, #tpu.memory_space<vmem>>, %arg15: memref<2000x128xf32, #tpu.memory_space<vmem>>) attributes {dimension_semantics = [#tpu.dimension_semantics<arbitrary>], iteration_bounds = array<i64: 5>, scalar_prefetch = 0 : i64, scratch_operands = 0 : i64, tpu.core_type = #tpu.core_type<tc>, window_params = [{transform_indices = @transform_0, window_bounds = array<i64: 2000, 128>}, {transform_indices = @transform_1, window_bounds = array<i64: 2000, 128>}, {transform_indices = @transform_2, window_bounds = array<i64: 2000, 128>}, {transform_indices = @transform_3, window_bounds = array<i64: 2000, 16>}, {transform_indices = @transform_4, window_bounds = array<i64: 2000, 16>}, {pipeline_mode = #tpu.pipeline_mode<synchronous>, transform_indices = @transform_5, window_bounds = array<i64: 128, 128>}, {pipeline_mode = #tpu.pipeline_mode<synchronous>, transform_indices = @transform_6, window_bounds = array<i64: 128, 128>}, {pipeline_mode = #tpu.pipeline_mode<synchronous>, transform_indices = @transform_7, window_bounds = array<i64: 1, 128>}, {pipeline_mode = #tpu.pipeline_mode<synchronous>, transform_indices = @transform_8, window_bounds = array<i64: 128, 128>}, {pipeline_mode = #tpu.pipeline_mode<synchronous>, transform_indices = @transform_9, window_bounds = array<i64: 1, 128>}, {pipeline_mode = #tpu.pipeline_mode<synchronous>, transform_indices = @transform_10, window_bounds = array<i64: 128, 128>}, {pipeline_mode = #tpu.pipeline_mode<synchronous>, transform_indices = @transform_11, window_bounds = array<i64: 1, 128>}, {pipeline_mode = #tpu.pipeline_mode<synchronous>, transform_indices = @transform_12, window_bounds = array<i64: 128, 128>}, {pipeline_mode = #tpu.pipeline_mode<synchronous>, transform_indices = @transform_13, window_bounds = array<i64: 1, 128>}, {transform_indices = @transform_14, window_bounds = array<i64: 2000, 128>}]} {
    %get3A = arith.constant 0 : index
    %get3A_0 = arith.constant 0 : index
    %get3A_1 = vector.load %arg4[%get3A, %get3A_0] : memref<2000x16xf32, #tpu.memory_space<vmem>>, vector<2000x16xf32>
    %slice3A = vector.extract_strided_slice %get3A_1 {offsets = [0, 0], sizes = [2000, 1], strides = [1, 1]} : vector<2000x16xf32> to vector<2000x1xf32>
    %get3A_2 = arith.constant 0 : index
    %get3A_3 = arith.constant 0 : index
    %get3A_4 = vector.load %arg5[%get3A_2, %get3A_3] : memref<2000x16xf32, #tpu.memory_space<vmem>>, vector<2000x16xf32>
    %slice3A_5 = vector.extract_strided_slice %get3A_4 {offsets = [0, 0], sizes = [2000, 1], strides = [1, 1]} : vector<2000x16xf32> to vector<2000x1xf32>
    %add3A = arith.addf %slice3A, %slice3A_5 : vector<2000x1xf32>
    %get3A_6 = arith.constant 0 : index
    %get3A_7 = arith.constant 0 : index
    %get3A_8 = vector.load %arg2[%get3A_6, %get3A_7] : memref<2000x128xf32, #tpu.memory_space<vmem>>, vector<2000x128xf32>
    %get3A_9 = arith.constant 0 : index
    %get3A_10 = arith.constant 0 : index
    %get3A_11 = vector.load %arg3[%get3A_9, %get3A_10] : memref<2000x128xf32, #tpu.memory_space<vmem>>, vector<2000x128xf32>
    %add3A_12 = arith.addf %get3A_8, %get3A_11 : vector<2000x128xf32>
    %add3A_13 = arith.constant 1.000000e-16 : f32
    %add3A_14 = vector.broadcast %add3A_13 : f32 to vector<2000x1xf32>
    %add3A_15 = arith.addf %add3A, %add3A_14 : vector<2000x1xf32>
    %div3A = vector.broadcast %add3A_15 : vector<2000x1xf32> to vector<2000x128xf32>
    %div3A_16 = arith.divf %add3A_12, %div3A : vector<2000x128xf32>
    %get3A_17 = arith.constant 0 : index
    %get3A_18 = arith.constant 0 : index
    %get3A_19 = vector.load %arg1[%get3A_17, %get3A_18] : memref<2000x128xf32, #tpu.memory_space<vmem>>, vector<2000x128xf32>
    %get3A_20 = arith.constant 0 : index
    %get3A_21 = arith.constant 0 : index
    %get3A_22 = vector.load %arg6[%get3A_20, %get3A_21] : memref<128x128xf32, #tpu.memory_space<vmem>>, vector<128x128xf32>
    %dot_general3A = arith.constant dense<0.000000e+00> : vector<2000x128xf32>
    %dot_general3A_23 = tpu.matmul %get3A_19, %get3A_22, %dot_general3A {dimension_numbers = #tpu.dot_dimension_numbers<[1], [0], [0], [1], [0, 0, 1, 1], [], []>, transpose_lhs_hint = false} : vector<2000x128xf32>, vector<128x128xf32>, vector<2000x128xf32> -> vector<2000x128xf32>
    %get3A_24 = arith.constant 0 : index
    %get3A_25 = arith.constant 0 : index
    %get3A_26 = vector.load %arg7[%get3A_24, %get3A_25] : memref<128x128xf32, #tpu.memory_space<vmem>>, vector<128x128xf32>
    %dot_general3A_27 = arith.constant dense<0.000000e+00> : vector<2000x128xf32>
    %dot_general3A_28 = tpu.matmul %div3A_16, %get3A_26, %dot_general3A_27 {dimension_numbers = #tpu.dot_dimension_numbers<[1], [0], [0], [1], [0, 0, 1, 1], [], []>, transpose_lhs_hint = false} : vector<2000x128xf32>, vector<128x128xf32>, vector<2000x128xf32> -> vector<2000x128xf32>
    %add3A_29 = arith.addf %dot_general3A_23, %dot_general3A_28 : vector<2000x128xf32>
    %get3A_30 = arith.constant 0 : index
    %get3A_31 = arith.constant 0 : index
    %get3A_32 = vector.load %arg8[%get3A_30, %get3A_31] : memref<1x128xf32, #tpu.memory_space<vmem>>, vector<1x128xf32>
    %get3A_33 = arith.constant 0 : index
    %get3A_34 = arith.constant 0 : index
    %get3A_35 = vector.load %arg9[%get3A_33, %get3A_34] : memref<128x128xf32, #tpu.memory_space<vmem>>, vector<128x128xf32>
    %get3A_36 = arith.constant 0 : index
    %get3A_37 = arith.constant 0 : index
    %get3A_38 = vector.load %arg10[%get3A_36, %get3A_37] : memref<1x128xf32, #tpu.memory_space<vmem>>, vector<1x128xf32>
    %get3A_39 = arith.constant 0 : index
    %get3A_40 = arith.constant 0 : index
    %get3A_41 = vector.load %arg11[%get3A_39, %get3A_40] : memref<128x128xf32, #tpu.memory_space<vmem>>, vector<128x128xf32>
    %get3A_42 = arith.constant 0 : index
    %get3A_43 = arith.constant 0 : index
    %get3A_44 = vector.load %arg12[%get3A_42, %get3A_43] : memref<1x128xf32, #tpu.memory_space<vmem>>, vector<1x128xf32>
    %add3A_45 = vector.broadcast %get3A_32 : vector<1x128xf32> to vector<2000x128xf32>
    %add3A_46 = arith.addf %add3A_29, %add3A_45 : vector<2000x128xf32>
    %max3A = arith.constant 0.000000e+00 : f32
    %max3A_47 = vector.broadcast %max3A : f32 to vector<2000x128xf32>
    %max3A_48 = arith.maximumf %add3A_46, %max3A_47 : vector<2000x128xf32>
    %dot_general3A_49 = arith.constant dense<0.000000e+00> : vector<2000x128xf32>
    %dot_general3A_50 = tpu.matmul %max3A_48, %get3A_35, %dot_general3A_49 {dimension_numbers = #tpu.dot_dimension_numbers<[1], [0], [0], [1], [0, 0, 1, 1], [], []>, transpose_lhs_hint = false} : vector<2000x128xf32>, vector<128x128xf32>, vector<2000x128xf32> -> vector<2000x128xf32>
    %add3A_51 = vector.broadcast %get3A_38 : vector<1x128xf32> to vector<2000x128xf32>
    %add3A_52 = arith.addf %dot_general3A_50, %add3A_51 : vector<2000x128xf32>
    %max3A_53 = arith.constant 0.000000e+00 : f32
    %max3A_54 = vector.broadcast %max3A_53 : f32 to vector<2000x128xf32>
    %max3A_55 = arith.maximumf %add3A_52, %max3A_54 : vector<2000x128xf32>
    %dot_general3A_56 = arith.constant dense<0.000000e+00> : vector<2000x128xf32>
    %dot_general3A_57 = tpu.matmul %max3A_55, %get3A_41, %dot_general3A_56 {dimension_numbers = #tpu.dot_dimension_numbers<[1], [0], [0], [1], [0, 0, 1, 1], [], []>, transpose_lhs_hint = false} : vector<2000x128xf32>, vector<128x128xf32>, vector<2000x128xf32> -> vector<2000x128xf32>
    %add3A_58 = vector.broadcast %get3A_44 : vector<1x128xf32> to vector<2000x128xf32>
    %add3A_59 = arith.addf %dot_general3A_57, %add3A_58 : vector<2000x128xf32>
    %add3A_60 = arith.addf %max3A_48, %add3A_59 : vector<2000x128xf32>
    %get3A_61 = arith.constant 0 : index
    %get3A_62 = arith.constant 0 : index
    %get3A_63 = vector.load %arg13[%get3A_61, %get3A_62] : memref<128x128xf32, #tpu.memory_space<vmem>>, vector<128x128xf32>
    %dot_general3A_64 = arith.constant dense<0.000000e+00> : vector<2000x128xf32>
    %dot_general3A_65 = tpu.matmul %add3A_60, %get3A_63, %dot_general3A_64 {dimension_numbers = #tpu.dot_dimension_numbers<[1], [0], [0], [1], [0, 0, 1, 1], [], []>, transpose_lhs_hint = false} : vector<2000x128xf32>, vector<128x128xf32>, vector<2000x128xf32> -> vector<2000x128xf32>
    %add3A_66 = arith.addf %get3A_19, %dot_general3A_65 : vector<2000x128xf32>
    %get3A_67 = arith.constant 0 : index
    %get3A_68 = arith.constant 0 : index
    %get3A_69 = vector.load %arg14[%get3A_67, %get3A_68] : memref<1x128xf32, #tpu.memory_space<vmem>>, vector<1x128xf32>
    %add3A_70 = vector.broadcast %get3A_69 : vector<1x128xf32> to vector<2000x128xf32>
    %add3A_71 = arith.addf %add3A_66, %add3A_70 : vector<2000x128xf32>
    %swap3A = arith.constant 0 : index
    %swap3A_72 = arith.constant 0 : index
    %swap3A_73 = vector.load %arg15[%swap3A, %swap3A_72] : memref<2000x128xf32, #tpu.memory_space<vmem>>, vector<2000x128xf32>
    tpu.vector_store %arg15[%swap3A, %swap3A_72], %add3A_71 {strides = array<i32>} : memref<2000x128xf32, #tpu.memory_space<vmem>>, vector<2000x128xf32>,
    return
  }
  func.func @transform_0(%arg0: i32) -> (i32, i32) {
    %c0_i32 = arith.constant 0 : i32
    %c0_i32_0 = arith.constant 0 : i32
    return %arg0, %c0_i32 : i32, i32
  }
  func.func @transform_1(%arg0: i32) -> (i32, i32) {
    %c0_i32 = arith.constant 0 : i32
    %c0_i32_0 = arith.constant 0 : i32
    return %arg0, %c0_i32 : i32, i32
  }
  func.func @transform_2(%arg0: i32) -> (i32, i32) {
    %c0_i32 = arith.constant 0 : i32
    %c0_i32_0 = arith.constant 0 : i32
    return %arg0, %c0_i32 : i32, i32
  }
  func.func @transform_3(%arg0: i32) -> (i32, i32) {
    %c0_i32 = arith.constant 0 : i32
    %c0_i32_0 = arith.constant 0 : i32
    return %arg0, %c0_i32 : i32, i32
  }
  func.func @transform_4(%arg0: i32) -> (i32, i32) {
    %c0_i32 = arith.constant 0 : i32
    %c0_i32_0 = arith.constant 0 : i32
    return %arg0, %c0_i32 : i32, i32
  }
  func.func @transform_5(%arg0: i32) -> (i32, i32) {
    %c0_i32 = arith.constant 0 : i32
    %c0_i32_0 = arith.constant 0 : i32
    %c0_i32_1 = arith.constant 0 : i32
    return %c0_i32, %c0_i32_0 : i32, i32
  }
  func.func @transform_6(%arg0: i32) -> (i32, i32) {
    %c0_i32 = arith.constant 0 : i32
    %c0_i32_0 = arith.constant 0 : i32
    %c0_i32_1 = arith.constant 0 : i32
    return %c0_i32, %c0_i32_0 : i32, i32
  }
  func.func @transform_7(%arg0: i32) -> (i32, i32) {
    %c0_i32 = arith.constant 0 : i32
    %c0_i32_0 = arith.constant 0 : i32
    %c0_i32_1 = arith.constant 0 : i32
    return %c0_i32, %c0_i32_0 : i32, i32
  }
  func.func @transform_8(%arg0: i32) -> (i32, i32) {
    %c0_i32 = arith.constant 0 : i32
    %c0_i32_0 = arith.constant 0 : i32
    %c0_i32_1 = arith.constant 0 : i32
    return %c0_i32, %c0_i32_0 : i32, i32
  }
  func.func @transform_9(%arg0: i32) -> (i32, i32) {
    %c0_i32 = arith.constant 0 : i32
    %c0_i32_0 = arith.constant 0 : i32
    %c0_i32_1 = arith.constant 0 : i32
    return %c0_i32, %c0_i32_0 : i32, i32
  }
  func.func @transform_10(%arg0: i32) -> (i32, i32) {
    %c0_i32 = arith.constant 0 : i32
    %c0_i32_0 = arith.constant 0 : i32
    %c0_i32_1 = arith.constant 0 : i32
    return %c0_i32, %c0_i32_0 : i32, i32
  }
  func.func @transform_11(%arg0: i32) -> (i32, i32) {
    %c0_i32 = arith.constant 0 : i32
    %c0_i32_0 = arith.constant 0 : i32
    %c0_i32_1 = arith.constant 0 : i32
    return %c0_i32, %c0_i32_0 : i32, i32
  }
  func.func @transform_12(%arg0: i32) -> (i32, i32) {
    %c0_i32 = arith.constant 0 : i32
    %c0_i32_0 = arith.constant 0 : i32
    %c0_i32_1 = arith.constant 0 : i32
    return %c0_i32, %c0_i32_0 : i32, i32
  }
  func.func @transform_13(%arg0: i32) -> (i32, i32) {
    %c0_i32 = arith.constant 0 : i32
    %c0_i32_0 = arith.constant 0 : i32
    %c0_i32_1 = arith.constant 0 : i32
    return %c0_i32, %c0_i32_0 : i32, i32
  }
  func.func @transform_14(%arg0: i32) -> (i32, i32) {
    %c0_i32 = arith.constant 0 : i32
    %c0_i32_0 = arith.constant 0 : i32
    return %arg0, %c0_i32 : i32, i32
  }
}

</mosaic_0001>

<sc_bundles>
// kernel: kernel.13.cloned.1.call-start
scs
__scs_entry_jumppad:
0x0: {  	(pc) =	sbr.rel $0x88, $3  }
0x1: {  	(tag) =	ssettag $0x0;
	lr =	simm.s32 $0x1  }
0x2: {  	[smem:$0x3F62] =	sst lr;
	_ =	strace $0xD0000000  }
0x3: {  	_ = 	snop  }
0x4: {  	_ = 	snop  }
0x5: {  	_ = 	snop  }
0x6: {  	_ = 	snop  }
0x7: {  	_ = 	snop  }
__scs_overlays_trampoline_lowered:
0x8: {  	[smem:$0x3F71] =	sst s0  }
0x9: {  	[smem:$0x3F72] =	sst s1  }
0xa: {  	[smem:$0x3F73] =	sst s2  }
0xb: {  	[smem:$0x3F74] =	sst s3  }
0xc: {  	[smem:$0x3F75] =	sst s4  }
0xd: {  	[smem:$0x3F76] =	sst s5  }
0xe: {  	[smem:$0x3F77] =	sst s6  }
0xf: {  	[smem:$0x3F78] =	sst s7  }
0x10: {  	[smem:$0x3F79] =	sst s8  }
0x11: {  	[smem:$0x3F7A] =	sst s9;
	s0 =	simm.s32 @!p0 $0x0  }
0x12: {  	s1 =	sld [smem:$0x3F60];
	s0 =	simm.s32 @p0 $0x1  }
0x13: {  	[smem:$0x3F7B] =	sst s0;
	s0 =	simm.s32 @!p1 $0x0  }
0x14: {  	s2 =	sld [smem:$0x3F5F];
	s0 =	simm.s32 @p1 $0x1  }
0x15: {  	[smem:$0x3F7C] =	sst s0;
	s0 =	simm.s32 @!p2 $0x0  }
0x16: {  	s3 =	sld [smem:$0x3FDB];
	s0 =	simm.s32 @p2 $0x1  }
0x17: {  	s4 =	simm.s32 $0x1BF5;
	[smem:$0x3F7E] =	sst s0  }
0x18: {  	s0 =	sld [smem:$0x3F61];
	_ =	swait.ge [sflag:s4], $0x0  }
0x19: {  	s7 =	sld [smem:$0x3F62]  }
0x1a: {  	s8 =	sadd.s32 $0xFFFFE003, lr  }
0x1b: {  	s9 =	sadd.s32 $0xFFFFFEF7, lr;
	s5 =	simm.s32 $0xFFFFFFFF;
	p2 =	slt.u32 s8, $0xFFFFF086  }
0x1c: {  	p1 =	slt.u32 s9, $0xF7A;
	s5 =	simm.s32 @!p2 $0x0  }
0x1d: {  	s5 =	simm.s32 @p1 $0x1;
	p0 =	seq.s32 s7, s2  }
0x1e: {  	s7 =	smul.u32 @!p0 $0xF7A, s2;
	p2 =	seq.s32 @!p0 s5, $0x0  }
0x1f: {  	s9 =	smul.u32 $0xF7A, s1;
	s8 =	simm.s32 @!p0 $0x1BF5;
	p2 =	por !p2, p0  }
0x20: {  	[sflag:s8] =	ssyncset.s32 @!p0 $0xFFFFF086;
	s6 =	sadd.s32 @!p0 s3, s7;
	s7 =	simm.s32 @!p0 $0x108  }
0x21: {  	s3 =	sadd.s32 s3, s9;
	s6 =	sadd.s32 @!p0 $0x88, s6;
	s7 =	simm.s32 @p2 $0x1082  }
0x22: {  	[simem:s7], [sflag:s8] =	dma.local @!p0 [hbm:s6], $0xF7A  }
0x23: {  	s9 =	sor.u32 $0xD0000000, s2;
	s6 =	simm.s32 $0x108;
	_ =	swait.ge @!p0 [sflag:s8], $0x0  }
0x24: {  	s3 =	sadd.s32 $0x88, s3;
	s6 =	simm.s32 @!p1 $0x1082;
	[sflag:s4] =	ssyncset.s32 $0xFFFFF086  }
0x25: {  	[simem:s6], [sflag:s4] =	dma.local [hbm:s3], $0xF7A  }
0x26: {  	[smem:$0x3F62] =	sst s1;
	(tag) =	ssettag s2;
	_ =	strace s9  }
0x27: {  	s1 =	sld [smem:$0x3F72]  }
0x28: {  	s2 =	sld [smem:$0x3F73]  }
0x29: {  	s4 =	sld [smem:$0x3F75]  }
0x2a: {  	p0 =	seq.s32 s5, $0x0;
	s5 =	sld [smem:$0x3F76]  }
0x2b: {  	s6 =	sld [smem:$0x3F77]  }
0x2c: {  	s7 =	sld [smem:$0x3F78]  }
0x2d: {  	s3 =	simm.s32 $0x108;
	s8 =	sld [smem:$0x3F79]  }
0x2e: {  	s3 =	simm.s32 @!p0 $0x1082;
	s9 =	sld [smem:$0x3F7A]  }
0x2f: {  	lr =	sadd.s32 s0, s3;
	s0 =	sld [smem:$0x3F71]  }
0x30: {  	s3 =	sld [smem:$0x3F74]  }
0x31: {  	[smem:$0x3F7D] =	sst s10  }
0x32: {  	s10 =	sld [smem:$0x3F7B];
	_ =	sdelay $0x3  }
0x33: {  	p0 =	seq.s32 s10, $0x1;
	s10 =	sld [smem:$0x3F7D];
	_ =	sdelay $0x3  }
0x34: {  	[smem:$0x3F7D] =	sst s10  }
0x35: {  	s10 =	sld [smem:$0x3F7C];
	_ =	sdelay $0x3  }
0x36: {  	p1 =	seq.s32 s10, $0x1;
	s10 =	sld [smem:$0x3F7D];
	_ =	sdelay $0x3  }
0x37: {  	[smem:$0x3F7D] =	sst s10  }
0x38: {  	s10 =	sld [smem:$0x3F7E]  }
0x39: {  	_ = 	snop;
	(pc) =	sbr.ind lr, $3  }
0x3a: {  	_ = 	snop  }
0x3b: {  	_ = 	snop  }
0x3c: {  	p2 =	seq.s32 s10, $0x1;
	s10 =	sld [smem:$0x3F7D]  }
0x3d: {  	_ =	shalt  }
0x3e: {  	_ =	shalt  }
0x3f: {  	_ =	shalt  }
0x40: {  	_ =	shalt  }
0x41: {  	_ =	shalt  }
0x42: {  	_ =	shalt  }
0x43: {  	_ =	shalt  }
0x44: {  	_ =	shalt  }
0x45: {  	_ =	shalt  }
0x46: {  	_ =	shalt  }
0x47: {  	_ =	shalt  }
0x48: {  	_ =	shalt  }
0x49: {  	_ =	shalt  }
0x4a: {  	_ =	shalt  }
0x4b: {  	_ =	shalt  }
0x4c: {  	_ =	shalt  }
0x4d: {  	_ =	shalt  }
0x4e: {  	_ =	shalt  }
0x4f: {  	_ =	shalt  }
0x50: {  	_ =	shalt  }
0x51: {  	_ =	shalt  }
0x52: {  	_ =	shalt  }
0x53: {  	_ =	shalt  }
0x54: {  	_ =	shalt  }
0x55: {  	_ =	shalt  }
0x56: {  	_ =	shalt  }
0x57: {  	_ =	shalt  }
0x58: {  	_ =	shalt  }
0x59: {  	_ =	shalt  }
0x5a: {  	_ =	shalt  }
0x5b: {  	_ =	shalt  }
0x5c: {  	_ =	shalt  }
0x5d: {  	_ =	shalt  }
0x5e: {  	_ =	shalt  }
0x5f: {  	_ =	shalt  }
0x60: {  	_ =	shalt  }
0x61: {  	_ =	shalt  }
0x62: {  	_ =	shalt  }
0x63: {  	_ =	shalt  }
0x64: {  	_ =	shalt  }
0x65: {  	_ =	shalt  }
0x66: {  	_ =	shalt  }
0x67: {  	_ =	shalt  }
0x68: {  	_ =	shalt  }
0x69: {  	_ =	shalt  }
0x6a: {  	_ =	shalt  }
0x6b: {  	_ =	shalt  }
0x6c: {  	_ =	shalt  }
0x6d: {  	_ =	shalt  }
0x6e: {  	_ =	shalt  }
0x6f: {  	_ =	shalt  }
0x70: {  	_ =	shalt  }
0x71: {  	_ =	shalt  }
0x72: {  	_ =	shalt  }
0x73: {  	_ =	shalt  }
0x74: {  	_ =	shalt  }
0x75: {  	_ =	shalt  }
0x76: {  	_ =	shalt  }
0x77: {  	_ =	shalt  }
0x78: {  	_ =	shalt  }
0x79: {  	_ =	shalt  }
0x7a: {  	_ =	shalt  }
0x7b: {  	_ =	shalt  }
0x7c: {  	_ =	shalt  }
0x7d: {  	_ =	shalt  }
0x7e: {  	_ =	shalt  }
0x7f: {  	_ =	shalt  }
0x80: {  	_ =	shalt  }
0x81: {  	_ =	shalt  }
0x82: {  	_ =	shalt  }
0x83: {  	_ =	shalt  }
0x84: {  	_ =	shalt  }
0x85: {  	_ =	shalt  }
0x86: {  	_ =	shalt  }
0x87: {  	_ =	shalt  }
.Lfunc_end0:
.L_simem_size_0:
called_computation_lowered:
.L_overlay_start_0:
0x88: {  	s2 =	sld [smem:$0x3FD9]  }
0x89: {  	s3 =	sld [smem:$0x3FFE];
	_ =	sdelay $0x1  }
0x8a: {  	s1 =	srdreg.scid  }
0x8b: {  	s0 =	sand.u32 $0x1, s1  }
0x8c: {  	s16 =	sshll.u32 s0, $0xA;
	s2 =	sadd.s32 s3, s2  }
0x8d: {  	s2 =	sadd.s32 s2, s16  }
0x8e: {  	[smem:$0x3F89] =	sst s2  }
0x8f: {  	_ = 	snop  }
0x90: {  	(tm) =	ssettm $0x1  }
0x91: {  	s17 =	sld [smem:$0x3FFB];
	_ =	sdelay $0x3  }
0x92: {  	_ =	strace s17  }
0x93: {  	s2 =	sld [smem:$0x3FFC];
	_ =	sdelay $0x3  }
0x94: {  	_ =	strace s2  }
0x95: {  	s2 =	sld [smem:$0x3FFD];
	_ =	sdelay $0x3  }
0x96: {  	_ =	strace s2  }
0x97: {  	_ =	strace $0x8FFFFFFF  }
0x98: {  	s18 =	sld [smem:$0x3FDB];
	_ =	sdelay $0x1  }
0x99: {  	s19 =	simm.s32 $_scs_section_size  }
0x9a: {  	s4 =	simm.s32 $_size__tile_overlayer_lowered;
	s5 =	simm.s32 $_tile_overlayer_lowered  }
0x9b: {  	s22 =	simm.s32 $0x1BFF;
	s21 =	sshll.u32 s5, $0x1;
	s2 =	sadd.s32 s19, s18  }
0x9c: {  	s6 =	simm.s32 $0x0;
	s20 =	sshll.u32 s4, $0x1;
	s4 =	sadd.s32 s21, s2  }
0x9d: {  	[timem:s6], [sflag:s22] =	dma.local [hbm:s4], s20  }
0x9e: {  	_ =	swait.ge [sflag:s22], s20  }
0x9f: {  	s3 =	ssub.s32 $0x0, s20;
	[sflag:s22] =	ssyncset.done $0x0  }
0xa0: {  	[sflag:s22] =	ssyncadd.s32 s3;
	_ =	sdelay $0x1  }
0xa1: {  	s23 =	simm.s32 $0x1B8B  }
0xa2: {  	_ =	swait.ge [sflag:s23], $0x1  }
0xa3: {  	[sflag:s23] =	ssyncset.done $0x0  }
0xa4: {  	s25 =	simm.s32 $0x1B8E;
	s24 =	sld [smem:$0x3FFE];
	[sflag:s23] =	ssyncadd.s32 $0xFFFFFFFF  }
0xa5: {  	s26 =	simm.s32 $execute0_lowered;
	[smem:$0x3FD2] =	sst s25  }
0xa6: {  	s4 =	sshll.u32 s26, $0x1;
	_ =	strace $0x80000046;
	[dreg:$0x1] =	wrdreg $0xFFFFFFFF  }
0xa7: {  	s28 =	simm.s32 $_size_execute0_lowered;
	s2 =	sadd.s32 s2, s4;
	[dreg:$0x0] =	wrdreg $0x0  }
0xa8: {  	s4 =	sshll.u32 s28, $0x1;
	[dreg:$0x2] =	wrdreg s2  }
0xa9: {  	[dreg:$0x3] =	wrdreg s4  }
0xaa: {  	[dreg:$0x4] =	wrdreg $0xC0  }
0xab: {  	_ =	task [dreg:s6], $0x5FFFF  }
0xac: {  	[dreg:$0x1] =	wrdreg $0xFFFFFFFF  }
0xad: {  	[dreg:$0x0] =	wrdreg $0x60  }
0xae: {  	[dreg:$0x2] =	wrdreg s24  }
0xaf: {  	[dreg:$0x3] =	wrdreg $0x9  }
0xb0: {  	_ =	task.clear_ibuf [dreg:s6], $0x4FFFF;
	_ =	strace $0x90000046  }
0xb1: {  	s29 =	simm.s32 $0x9;
	_ =	strace $0x80000048  }
0xb2: {  	_ =	swait.ge [sflag:s29], $0x1  }
0xb3: {  	[sflag:s29] =	ssyncadd.s32 $0xFFFFFFFF  }
0xb4: {  	_ =	strace $0x90000048  }
0xb5: {  	_ =	sfence  }
0xb6: {  	s30 =	sld [smem:$0x0];
	_ =	sdelay $0x2  }
0xb7: {  	s31 =	sshll.u32 s1, $0xD;
	s1 =	sshrl.u32 s1, $0x2  }
0xb8: {  	s3 =	sand.u32 $0x4000, s31;
	s1 =	sadd.s32 s1, s30  }
0xb9: {  	s0 =	sor.u32 s3, s0;
	s1 =	sshll.u32 s1, $0x11  }
0xba: {  	s0 =	sor.u32 s1, s0  }
0xbb: {  	s0 =	sadd.s32 $0x8F2B, s0  }
0xbc: {  	[sflag:s0] =	ssyncadd.remote.s32 $0x1  }
0xbd: {  	_ =	sfence.sel $0xFFFF  }
0xbe: {  	[dreg:$0x0] =	wrdreg $0xFFFFFFFF;
	(pc) =	sbr.abs _section_cstart, $3  }
0xbf: {  	[dreg:$0x1] =	wrdreg $0xFFFFFFFF  }
0xc0: {  	_ =	task.clear_ibuf [dreg:s6], $0x2FFFF;
	_ =	strace $0x9FFFFFFF  }
0xc1: {  	(tm) =	ssettm $0x7FFFFFFF  }
tec
execute0_lowered:
.L_overlay_start_1:
0x0: {  	(tag) =	ssettag $0x1  }
0x1: {  	s4 =	rddreg [dreg:$0x0]  }
0x2: {  	s0 =	rddreg [dreg:$0x1]  }
0x3: {  	s3 =	srdreg.scid;
	s1 =	stileid.u32;
	s2 =	simm.s32 $0x0  }
0x4: {  	s10 =	simm.s32 $0x1;
	s11 =	simm.s32 $0x0;
	s6 =	smul.u32 $0x4E20, s1  }
0x5: {  	s5 =	sand.u32 $0x1, s3;
	[smem:$0x7FF] =	sst s2;
	s8 =	smul.u32 $0x4E200, s1  }
0x6: {  	s3 =	sadd.s32 $0x1E800, s4;
	s7 =	smul.u32 $0x2710, s5;
	s9 =	ssub.s32 $0x2, s5  }
0x7: {  	_ =	strace $0x80000047;
	s5 =	smul.u32 $0x27100, s5;
	s31 =	sshrl.u32 s9, $0x1  }
0x8: {  	s30 =	sadd.s32 s8, s4;
	s6 =	sadd.s32 s7, s6;
	s8 =	ssub.s32 s9, s31  }
0x9: {  	s5 =	sadd.s32 s5, s30;
	s7 =	simm.s32 $0x2;
	s6 =	sshrl.u32 s6, $0x3  }
0xa: {  	s9 =	simm.s32 $0x80;
	s5 =	sadd.s32 $0x45A00, s5;
	s6 =	sadd.s32 s6, s4  }
0xb: {  	s4 =	smax.u32 s8, $0x1;
	s8 =	simm.s32 $0x50;
	s6 =	sadd.s32 $0xAC00, s6  }
.LBB2_1:
0xc: {  	s12 =	sadd.s32 $0x0, s6  }
0xd: {  	[tilespmem:s2], [sflag:$0x2] =	stream.linear.gather [hbm4b:s12+s2], $0x50, $0x38;
	[tilespmem:$0x2880] =	vst v63  }
0xe: {  	_ =	swait.ge [sflag:s7], $0x50  }
0xf: {  	[sflag:s7] =	ssyncset.done $0x0  }
0x10: {  	[sflag:s7] =	ssyncadd.s32 $0xFFFFFFB0  }
0x11: {  	[tilespmem:s9], [sflag:$0x1] =	stream.indirect.gather [hbm4b:s3+s8], $0x80, s2, s8, $0xb8;
	[tilespmem:$0x2880] =	vst v63  }
0x12: {  	_ =	swait.ge [sflag:s10], $0x2800  }
0x13: {  	[sflag:s10] =	ssyncset.done $0x0  }
0x14: {  	[sflag:s10] =	ssyncadd.s32 $0xFFFFD800  }
0x15: {  	[hbm4b:s5+s2] =	stream.linear.scatter [tilespmem:s9], [sflag:$0x2], $0x2800, $0x38;
	[tilespmem:$0x2880] =	vst v63  }
0x16: {  	s13 =	simm.s32 $0xA;
	_ =	swait.ge [sflag:s7], $0x2800  }
0x17: {  	s14 =	simm.s32 $0x14;
	s12 =	sadd.s32 $0x500, s5;
	[sflag:s7] =	ssyncset.done $0x0  }
.LBB2_2:
0x18: {  	s15 =	sadd.s32 s13, s6  }
0x19: {  	[sflag:s7] =	ssyncadd.s32 $0xFFFFD800;
	s13 =	smov.u32 s14;
	s16 =	sadd.s32 $0xA, s14  }
0x1a: {  	[tilespmem:s2], [sflag:$0x2] =	stream.linear.gather [hbm4b:s15+s2], $0x50, $0x38;
	[tilespmem:$0x2880] =	vst v63  }
0x1b: {  	p0 =	sne.s32 s14, $0x4D8;
	_ =	swait.ge [sflag:s7], $0x50  }
0x1c: {  	[sflag:s7] =	ssyncset.done $0x0  }
0x1d: {  	[sflag:s7] =	ssyncadd.s32 $0xFFFFFFB0  }
0x1e: {  	[tilespmem:s9], [sflag:$0x1] =	stream.indirect.gather [hbm4b:s3+s8], $0x80, s2, s8, $0xb8;
	[tilespmem:$0x2880] =	vst v63  }
0x1f: {  	_ =	swait.ge [sflag:s10], $0x2800  }
.Ltmp0:
0x20: {  	[sflag:s10] =	ssyncset.done $0x0;
	(pc) =	sbr.rel @p0 .LBB2_2-.Ltmp0, $4  }
0x21: {  	[sflag:s10] =	ssyncadd.s32 $0xFFFFD800  }
0x22: {  	[hbm4b:s12+s2] =	stream.linear.scatter [tilespmem:s9], [sflag:$0x2], $0x2800, $0x38;
	[tilespmem:$0x2880] =	vst v63  }
0x23: {  	_ =	swait.ge [sflag:s7], $0x2800  }
0x24: {  	s14 =	smov.u32 s16;
	s12 =	sadd.s32 $0x500, s12;
	[sflag:s7] =	ssyncset.done $0x0  }
0x25: {  	s13 =	sadd.s32 s13, s6;
	[sflag:s7] =	ssyncadd.s32 $0xFFFFD800  }
0x26: {  	[tilespmem:s2], [sflag:$0x2] =	stream.linear.gather [hbm4b:s13+s2], $0x50, $0x38;
	[tilespmem:$0x2880] =	vst v63  }
0x27: {  	_ =	swait.ge [sflag:s7], $0x50  }
0x28: {  	[sflag:s7] =	ssyncset.done $0x0  }
0x29: {  	[sflag:s7] =	ssyncadd.s32 $0xFFFFFFB0  }
0x2a: {  	[tilespmem:s9], [sflag:$0x1] =	stream.indirect.gather [hbm4b:s3+s8], $0x80, s2, s8, $0xb8;
	[tilespmem:$0x2880] =	vst v63  }
0x2b: {  	s11 =	sadd.s32 $0x1, s11;
	_ =	swait.ge [sflag:s10], $0x2800  }
0x2c: {  	p0 =	sne.s32 s11, s4;
	[sflag:s10] =	ssyncset.done $0x0  }
.Ltmp1:
0x2d: {  	[sflag:s10] =	ssyncadd.s32 $0xFFFFD800;
	(pc) =	sbr.rel @p0 .LBB2_1-.Ltmp1, $4  }
0x2e: {  	[hbm4b:s12+s2] =	stream.linear.scatter [tilespmem:s9], [sflag:$0x2], $0x2800, $0x38;
	[tilespmem:$0x2880] =	vst v63  }
0x2f: {  	_ =	swait.ge [sflag:s7], $0x2800  }
0x30: {  	[sflag:s7] =	ssyncset.done $0x0  }
0x31: {  	[sflag:s7] =	ssyncadd.s32 $0xFFFFD800  }
0x32: {  	_ =	sfence.sel $0x180000  }
0x33: {  	[bflag:$0x0] =	sbarrier.arrive $0xFFFF  }
0x34: {  	p0 =	sne.s32 s1, $0x0;
	_ =	strace $0x90000047  }
0x35: {  	s0 =	sadd.s32 @!p0 $0x100000, s0;
	[bflag:$0x2] =	sbarrier.arrive $0xFFFF  }
0x36: {  	[sflag:s0] =	ssyncadd.tile.s32 @!p0 $0x1;
	_ =	shalt  }
.Lfunc_end2:
_tile_overlayer_lowered:
.L_overlay_start_2:
0x37: {  	(tag) =	ssettag $0x2  }
0x38: {  	s0 =	rddreg [dreg:$0x0];
	s2 =	stileid.u32  }
0x39: {  	s1 =	rddreg [dreg:$0x1];
	p0 =	sne.s32 s2, $0x0  }
0x3a: {  	s3 =	rddreg [dreg:$0x2];
	[bflag:$0x3] =	sbarrier.arrive $0xFFFF;
	s2 =	simm.s32 @!p0 $0x1C02  }
0x3b: {  	[timem:s3], [sflag:s2] =	dma.local @!p0 [hbm:s0], s1  }
0x3c: {  	s0 =	simm.s32 @!p0 $0x2  }
0x3d: {  	_ =	swait.ge @!p0 [sflag:s0], s1  }
0x3e: {  	s1 =	ssub.s32 @!p0 $0x0, s1;
	[sflag:s0] =	ssyncset.done @!p0 $0x0  }
0x3f: {  	[sflag:s0] =	ssyncadd.s32 @!p0 s1  }
0x40: {  	[bflag:$0x3] =	sbarrier.arrive $0xFFFF  }
0x41: {  	_ =	shalt  }

// kernel: kernel.16.cloned.1.call-start
scs
__scs_entry_jumppad:
0x0: {  	(pc) =	sbr.rel $0x88, $3  }
0x1: {  	(tag) =	ssettag $0x0;
	lr =	simm.s32 $0x1  }
0x2: {  	[smem:$0x3F62] =	sst lr;
	_ =	strace $0xD0000000  }
0x3: {  	_ = 	snop  }
0x4: {  	_ = 	snop  }
0x5: {  	_ = 	snop  }
0x6: {  	_ = 	snop  }
0x7: {  	_ = 	snop  }
__scs_overlays_trampoline_lowered:
0x8: {  	[smem:$0x3F71] =	sst s0  }
0x9: {  	[smem:$0x3F72] =	sst s1  }
0xa: {  	[smem:$0x3F73] =	sst s2  }
0xb: {  	[smem:$0x3F74] =	sst s3  }
0xc: {  	[smem:$0x3F75] =	sst s4  }
0xd: {  	[smem:$0x3F76] =	sst s5  }
0xe: {  	[smem:$0x3F77] =	sst s6  }
0xf: {  	[smem:$0x3F78] =	sst s7  }
0x10: {  	[smem:$0x3F79] =	sst s8  }
0x11: {  	[smem:$0x3F7A] =	sst s9;
	s0 =	simm.s32 @!p0 $0x0  }
0x12: {  	s1 =	sld [smem:$0x3F60];
	s0 =	simm.s32 @p0 $0x1  }
0x13: {  	[smem:$0x3F7B] =	sst s0;
	s0 =	simm.s32 @!p1 $0x0  }
0x14: {  	s2 =	sld [smem:$0x3F5F];
	s0 =	simm.s32 @p1 $0x1  }
0x15: {  	[smem:$0x3F7C] =	sst s0;
	s0 =	simm.s32 @!p2 $0x0  }
0x16: {  	s3 =	sld [smem:$0x3FDB];
	s0 =	simm.s32 @p2 $0x1  }
0x17: {  	s4 =	simm.s32 $0x1BF5;
	[smem:$0x3F7E] =	sst s0  }
0x18: {  	s0 =	sld [smem:$0x3F61];
	_ =	swait.ge [sflag:s4], $0x0  }
0x19: {  	s7 =	sld [smem:$0x3F62]  }
0x1a: {  	s8 =	sadd.s32 $0xFFFFE003, lr  }
0x1b: {  	s9 =	sadd.s32 $0xFFFFFEF7, lr;
	s5 =	simm.s32 $0xFFFFFFFF;
	p2 =	slt.u32 s8, $0xFFFFF086  }
0x1c: {  	p1 =	slt.u32 s9, $0xF7A;
	s5 =	simm.s32 @!p2 $0x0  }
0x1d: {  	s5 =	simm.s32 @p1 $0x1;
	p0 =	seq.s32 s7, s2  }
0x1e: {  	s7 =	smul.u32 @!p0 $0xF7A, s2;
	p2 =	seq.s32 @!p0 s5, $0x0  }
0x1f: {  	s9 =	smul.u32 $0xF7A, s1;
	s8 =	simm.s32 @!p0 $0x1BF5;
	p2 =	por !p2, p0  }
0x20: {  	[sflag:s8] =	ssyncset.s32 @!p0 $0xFFFFF086;
	s6 =	sadd.s32 @!p0 s3, s7;
	s7 =	simm.s32 @!p0 $0x108  }
0x21: {  	s3 =	sadd.s32 s3, s9;
	s6 =	sadd.s32 @!p0 $0x88, s6;
	s7 =	simm.s32 @p2 $0x1082  }
0x22: {  	[simem:s7], [sflag:s8] =	dma.local @!p0 [hbm:s6], $0xF7A  }
0x23: {  	s9 =	sor.u32 $0xD0000000, s2;
	s6 =	simm.s32 $0x108;
	_ =	swait.ge @!p0 [sflag:s8], $0x0  }
0x24: {  	s3 =	sadd.s32 $0x88, s3;
	s6 =	simm.s32 @!p1 $0x1082;
	[sflag:s4] =	ssyncset.s32 $0xFFFFF086  }
0x25: {  	[simem:s6], [sflag:s4] =	dma.local [hbm:s3], $0xF7A  }
0x26: {  	[smem:$0x3F62] =	sst s1;
	(tag) =	ssettag s2;
	_ =	strace s9  }
0x27: {  	s1 =	sld [smem:$0x3F72]  }
0x28: {  	s2 =	sld [smem:$0x3F73]  }
0x29: {  	s4 =	sld [smem:$0x3F75]  }
0x2a: {  	p0 =	seq.s32 s5, $0x0;
	s5 =	sld [smem:$0x3F76]  }
0x2b: {  	s6 =	sld [smem:$0x3F77]  }
0x2c: {  	s7 =	sld [smem:$0x3F78]  }
0x2d: {  	s3 =	simm.s32 $0x108;
	s8 =	sld [smem:$0x3F79]  }
0x2e: {  	s3 =	simm.s32 @!p0 $0x1082;
	s9 =	sld [smem:$0x3F7A]  }
0x2f: {  	lr =	sadd.s32 s0, s3;
	s0 =	sld [smem:$0x3F71]  }
0x30: {  	s3 =	sld [smem:$0x3F74]  }
0x31: {  	[smem:$0x3F7D] =	sst s10  }
0x32: {  	s10 =	sld [smem:$0x3F7B];
	_ =	sdelay $0x3  }
0x33: {  	p0 =	seq.s32 s10, $0x1;
	s10 =	sld [smem:$0x3F7D];
	_ =	sdelay $0x3  }
0x34: {  	[smem:$0x3F7D] =	sst s10  }
0x35: {  	s10 =	sld [smem:$0x3F7C];
	_ =	sdelay $0x3  }
0x36: {  	p1 =	seq.s32 s10, $0x1;
	s10 =	sld [smem:$0x3F7D];
	_ =	sdelay $0x3  }
0x37: {  	[smem:$0x3F7D] =	sst s10  }
0x38: {  	s10 =	sld [smem:$0x3F7E]  }
0x39: {  	_ = 	snop;
	(pc) =	sbr.ind lr, $3  }
0x3a: {  	_ = 	snop  }
0x3b: {  	_ = 	snop  }
0x3c: {  	p2 =	seq.s32 s10, $0x1;
	s10 =	sld [smem:$0x3F7D]  }
0x3d: {  	_ =	shalt  }
0x3e: {  	_ =	shalt  }
0x3f: {  	_ =	shalt  }
0x40: {  	_ =	shalt  }
0x41: {  	_ =	shalt  }
0x42: {  	_ =	shalt  }
0x43: {  	_ =	shalt  }
0x44: {  	_ =	shalt  }
0x45: {  	_ =	shalt  }
0x46: {  	_ =	shalt  }
0x47: {  	_ =	shalt  }
0x48: {  	_ =	shalt  }
0x49: {  	_ =	shalt  }
0x4a: {  	_ =	shalt  }
0x4b: {  	_ =	shalt  }
0x4c: {  	_ =	shalt  }
0x4d: {  	_ =	shalt  }
0x4e: {  	_ =	shalt  }
0x4f: {  	_ =	shalt  }
0x50: {  	_ =	shalt  }
0x51: {  	_ =	shalt  }
0x52: {  	_ =	shalt  }
0x53: {  	_ =	shalt  }
0x54: {  	_ =	shalt  }
0x55: {  	_ =	shalt  }
0x56: {  	_ =	shalt  }
0x57: {  	_ =	shalt  }
0x58: {  	_ =	shalt  }
0x59: {  	_ =	shalt  }
0x5a: {  	_ =	shalt  }
0x5b: {  	_ =	shalt  }
0x5c: {  	_ =	shalt  }
0x5d: {  	_ =	shalt  }
0x5e: {  	_ =	shalt  }
0x5f: {  	_ =	shalt  }
0x60: {  	_ =	shalt  }
0x61: {  	_ =	shalt  }
0x62: {  	_ =	shalt  }
0x63: {  	_ =	shalt  }
0x64: {  	_ =	shalt  }
0x65: {  	_ =	shalt  }
0x66: {  	_ =	shalt  }
0x67: {  	_ =	shalt  }
0x68: {  	_ =	shalt  }
0x69: {  	_ =	shalt  }
0x6a: {  	_ =	shalt  }
0x6b: {  	_ =	shalt  }
0x6c: {  	_ =	shalt  }
0x6d: {  	_ =	shalt  }
0x6e: {  	_ =	shalt  }
0x6f: {  	_ =	shalt  }
0x70: {  	_ =	shalt  }
0x71: {  	_ =	shalt  }
0x72: {  	_ =	shalt  }
0x73: {  	_ =	shalt  }
0x74: {  	_ =	shalt  }
0x75: {  	_ =	shalt  }
0x76: {  	_ =	shalt  }
0x77: {  	_ =	shalt  }
0x78: {  	_ =	shalt  }
0x79: {  	_ =	shalt  }
0x7a: {  	_ =	shalt  }
0x7b: {  	_ =	shalt  }
0x7c: {  	_ =	shalt  }
0x7d: {  	_ =	shalt  }
0x7e: {  	_ =	shalt  }
0x7f: {  	_ =	shalt  }
0x80: {  	_ =	shalt  }
0x81: {  	_ =	shalt  }
0x82: {  	_ =	shalt  }
0x83: {  	_ =	shalt  }
0x84: {  	_ =	shalt  }
0x85: {  	_ =	shalt  }
0x86: {  	_ =	shalt  }
0x87: {  	_ =	shalt  }
.Lfunc_end0:
.L_simem_size_0:
called_computation.1_lowered:
.L_overlay_start_0:
0x88: {  	s2 =	sld [smem:$0x3FD9]  }
0x89: {  	s3 =	sld [smem:$0x3FFE];
	_ =	sdelay $0x1  }
0x8a: {  	s1 =	srdreg.scid  }
0x8b: {  	s0 =	sand.u32 $0x1, s1  }
0x8c: {  	s17 =	sshll.u32 s0, $0xA;
	s2 =	sadd.s32 s3, s2  }
0x8d: {  	s2 =	sadd.s32 s2, s17  }
0x8e: {  	[smem:$0x3F89] =	sst s2  }
0x8f: {  	_ = 	snop  }
0x90: {  	s2 =	sld [smem:$0x3FD0];
	(tm) =	ssettm $0x1  }
0x91: {  	s18 =	sld [smem:$0x3FFB];
	_ =	sdelay $0x3  }
0x92: {  	_ =	strace s18  }
0x93: {  	s3 =	sld [smem:$0x3FFC];
	_ =	sdelay $0x3  }
0x94: {  	_ =	strace s3  }
0x95: {  	s3 =	sld [smem:$0x3FFD];
	_ =	sdelay $0x3  }
0x96: {  	_ =	strace s3  }
0x97: {  	_ =	strace $0x8FFFFFFF  }
0x98: {  	s19 =	sld [smem:$0x3FDB];
	_ =	sdelay $0x1  }
0x99: {  	s4 =	simm.s32 $_scs_section_size  }
0x9a: {  	s5 =	simm.s32 $_size__tile_overlayer_lowered;
	s6 =	simm.s32 $_tile_overlayer_lowered  }
0x9b: {  	s22 =	simm.s32 $0x1BFF;
	s21 =	sshll.u32 s6, $0x1;
	s3 =	sadd.s32 s4, s19  }
0x9c: {  	s7 =	simm.s32 $0x0;
	s20 =	sshll.u32 s5, $0x1;
	s5 =	sadd.s32 s21, s3  }
0x9d: {  	[timem:s7], [sflag:s22] =	dma.local [hbm:s5], s20  }
0x9e: {  	_ =	swait.ge [sflag:s22], s20  }
0x9f: {  	s4 =	ssub.s32 $0x0, s20;
	[sflag:s22] =	ssyncset.done $0x0  }
0xa0: {  	[sflag:s22] =	ssyncadd.s32 s4;
	_ =	sdelay $0x1  }
0xa1: {  	s23 =	simm.s32 $0x1B8B  }
0xa2: {  	_ =	swait.ge [sflag:s23], $0x1  }
0xa3: {  	[sflag:s23] =	ssyncset.done $0x0  }
0xa4: {  	s25 =	simm.s32 $0x1B8E;
	s24 =	sld [smem:$0x3FFE];
	[sflag:s23] =	ssyncadd.s32 $0xFFFFFFFF  }
0xa5: {  	s26 =	simm.s32 $execute0_lowered;
	[smem:$0x3FD2] =	sst s25  }
0xa6: {  	s5 =	sshll.u32 s26, $0x1;
	_ =	strace $0x80000049;
	[dreg:$0x1] =	wrdreg $0xFFFFFFFF  }
0xa7: {  	s28 =	simm.s32 $_size_execute0_lowered;
	s3 =	sadd.s32 s3, s5;
	[dreg:$0x0] =	wrdreg $0x0  }
0xa8: {  	s5 =	sshll.u32 s28, $0x1;
	[dreg:$0x2] =	wrdreg s3  }
0xa9: {  	[dreg:$0x3] =	wrdreg s5  }
0xaa: {  	[dreg:$0x4] =	wrdreg $0xC0  }
0xab: {  	_ =	task [dreg:s7], $0x5FFFF  }
0xac: {  	[dreg:$0x1] =	wrdreg $0xFFFFFFFF  }
0xad: {  	[dreg:$0x0] =	wrdreg $0x60  }
0xae: {  	[dreg:$0x2] =	wrdreg s24  }
0xaf: {  	[dreg:$0x3] =	wrdreg s2  }
0xb0: {  	[dreg:$0x4] =	wrdreg $0x51000  }
0xb1: {  	[dreg:$0x5] =	wrdreg $0x18D000  }
0xb2: {  	[dreg:$0x6] =	wrdreg $0x9  }
0xb3: {  	_ =	task.clear_ibuf [dreg:s7], $0x7FFFF;
	_ =	strace $0x90000049  }
0xb4: {  	s29 =	simm.s32 $0x9;
	_ =	strace $0x8000004B  }
0xb5: {  	_ =	swait.ge [sflag:s29], $0x1  }
0xb6: {  	[sflag:s29] =	ssyncadd.s32 $0xFFFFFFFF  }
0xb7: {  	_ =	strace $0x9000004B  }
0xb8: {  	_ =	sfence  }
0xb9: {  	s30 =	sld [smem:$0x0];
	_ =	sdelay $0x2  }
0xba: {  	s31 =	sshll.u32 s1, $0xD;
	s1 =	sshrl.u32 s1, $0x2  }
0xbb: {  	s3 =	sand.u32 $0x4000, s31;
	s1 =	sadd.s32 s1, s30  }
0xbc: {  	s0 =	sor.u32 s3, s0;
	s1 =	sshll.u32 s1, $0x11  }
0xbd: {  	s0 =	sor.u32 s1, s0  }
0xbe: {  	s0 =	sadd.s32 $0x8F2B, s0  }
0xbf: {  	[sflag:s0] =	ssyncadd.remote.s32 $0x1  }
0xc0: {  	_ =	sfence.sel $0xFFFF  }
0xc1: {  	[dreg:$0x0] =	wrdreg $0xFFFFFFFF;
	(pc) =	sbr.abs _section_cstart, $3  }
0xc2: {  	[dreg:$0x1] =	wrdreg $0xFFFFFFFF  }
0xc3: {  	_ =	task.clear_ibuf [dreg:s7], $0x2FFFF;
	_ =	strace $0x9FFFFFFF  }
0xc4: {  	(tm) =	ssettm $0x7FFFFFFF  }
0xc5: {  	_ =	shalt  }
tec
execute0_lowered:
.L_overlay_start_1:
0x0: {  	(tag) =	ssettag $0x1  }
0x1: {  	s7 =	rddreg [dreg:$0x0]  }
0x2: {  	s1 =	rddreg [dreg:$0x1];
	s0 =	stileid.u32  }
0x3: {  	s2 =	srdreg.scid;
	s3 =	rddreg [dreg:$0x2]  }
0x4: {  	s4 =	rddreg [dreg:$0x3];
	s5 =	simm.s32 $0x0;
	s6 =	smul.u32 $0x4E20, s0  }
0x5: {  	s16 =	simm.s32 $0x2900;
	s17 =	simm.s32 $0x50;
	s10 =	smul.u32 $0x4E200, s0  }
0x6: {  	s18 =	simm.s32 $0x80;
	s8 =	sand.u32 $0x1, s2;
	s29 =	smul.u32 $0x2780, s0  }
0x7: {  	s19 =	simm.s32 $0x0;
	[smem:$0x7FF] =	sst s5;
	s9 =	smul.u32 $0x2710, s8  }
0x8: {  	s2 =	rddreg [dreg:$0x4];
	_ =	strace $0x8000004A;
	s26 =	smul.u32 $0x27800, s8  }
0x9: {  	s12 =	ssub.s32 $0x2, s8;
	s14 =	smul.u32 $0x27100, s8;
	s25 =	sadd.s32 s10, s7  }
0xa: {  	s13 =	sshrl.u32 s12, $0x1;
	s6 =	sadd.s32 s9, s6;
	s15 =	sadd.s32 s26, s7  }
0xb: {  	s28 =	ssub.s32 s12, s13;
	s30 =	sadd.s32 s14, s25;
	s14 =	simm.s32 $0x100  }
0xc: {  	s6 =	sshrl.u32 s6, $0x3;
	s8 =	smax.u32 s28, $0x1;
	s9 =	sadd.s32 $0x527A00, s30  }
0xd: {  	s10 =	sadd.s32 $0xEEBA00, s30;
	s31 =	sadd.s32 s29, s15;
	s15 =	simm.s32 $0x1  }
0xe: {  	s11 =	sadd.s32 s6, s7;
	s6 =	sadd.s32 $0x45A00, s7;
	s7 =	smul.u32 $0x278, s0  }
0xf: {  	v0 =	vlaneseq.u32;
	s12 =	sadd.s32 $0x95000, s31;
	s13 =	sadd.s32 $0x46000, s31;
	s11 =	sadd.s32 $0x14A00, s11  }
.LBB2_1:
0x10: {  	[tilespmem:s14], [sflag:$0x1] =	stream.linear.gather [hbm4b:s1+s5], $0x2800, $0x38;
	[tilespmem:$0x1B480] =	vst v63  }
0x11: {  	_ =	swait.ge [sflag:s15], $0x2800  }
0x12: {  	[sflag:s15] =	ssyncset.done $0x0  }
0x13: {  	[sflag:s15] =	ssyncadd.s32 $0xFFFFD800  }
0x14: {  	[tilespmem:s16], [sflag:$0x1] =	stream.linear.gather [hbm4b:s6+s5], $0x2800, $0x38;
	[tilespmem:$0x1B480] =	vst v63  }
0x15: {  	_ =	swait.ge [sflag:s15], $0x2800  }
0x16: {  	s20 =	sadd.s32 $0x0, s7;
	[sflag:s15] =	ssyncset.done $0x0  }
0x17: {  	v1 =	vadd.s32 s20, v0;
	s22 =	sadd.s32 $0x40, s20;
	[sflag:s15] =	ssyncadd.s32 $0xFFFFD800  }
0x18: {  	s21 =	sadd.s32 $0x10, s20;
	v2 =	vadd.s32 s22, v0;
	[tilespmem:$0x80] =	vst v1  }
0x19: {  	s31 =	sadd.s32 $0x30, s20;
	v1 =	vadd.s32 s21, v0;
	[tilespmem:$0xC0] =	vst v2  }
0x1a: {  	s20 =	sadd.s32 $0x20, s20;
	[tilespmem:$0x90] =	vst v1;
	v1 =	vadd.s32 s31, v0  }
0x1b: {  	[tilespmem:$0xB0] =	vst v1;
	v1 =	vadd.s32 s20, v0  }
0x1c: {  	[tilespmem:$0xA0] =	vst v1  }
0x1d: {  	[spmem:s3] =	stream.indirect.scatter [tilespmem:s14], [sflag:$0x1], $0x80, s18, s17, $0xb8;
	[tilespmem:$0x1B480] =	vst v63  }
0x1e: {  	_ =	swait.ge [sflag:s15], $0x2800  }
0x1f: {  	[sflag:s15] =	ssyncset.done $0x0  }
0x20: {  	s20 =	simm.s32 $0x50;
	[sflag:s15] =	ssyncadd.s32 $0xFFFFD800  }
.LBB2_2:
0x21: {  	[spmem:s4] =	stream.indirect.scatter [tilespmem:s16], [sflag:$0x1], $0x10, s18, s17, $0xb8;
	[tilespmem:$0x1B480] =	vst v63  }
0x22: {  	s21 =	smov.u32 s20  }
0x23: {  	p0 =	sne.s32 s20, $0x1E0;
	s20 =	sadd.s32 $0x50, s20;
	_ =	swait.ge [sflag:s15], $0x500  }
0x24: {  	s21 =	sadd.s32 s21, s7;
	[sflag:s15] =	ssyncset.done $0x0  }
0x25: {  	v1 =	vadd.s32 s21, v0;
	s22 =	sadd.s32 $0x10, s21;
	s23 =	sadd.s32 $0x20, s21;
	[sflag:s15] =	ssyncadd.s32 $0xFFFFFB00  }
0x26: {  	v2 =	vadd.s32 s23, v0;
	[tilespmem:$0x80] =	vst v1;
	v1 =	vadd.s32 s22, v0;
	s22 =	sadd.s32 $0x30, s21;
	s21 =	sadd.s32 $0x40, s21  }
0x27: {  	[tilespmem:$0x90] =	vst v1;
	v1 =	vadd.s32 s22, v0;
	v3 =	vadd.s32 s21, v0  }
0x28: {  	[tilespmem:$0xB0] =	vst v1  }
0x29: {  	[tilespmem:$0xC0] =	vst v3  }
.Ltmp0:
0x2a: {  	[tilespmem:$0xA0] =	vst v2;
	(pc) =	sbr.rel @p0 .LBB2_2-.Ltmp0, $4  }
0x2b: {  	[spmem:s3] =	stream.indirect.scatter [tilespmem:s14], [sflag:$0x1], $0x80, s18, s17, $0xb8;
	[tilespmem:$0x1B480] =	vst v63  }
0x2c: {  	_ =	swait.ge [sflag:s15], $0x2800  }
0x2d: {  	[sflag:s15] =	ssyncset.done $0x0  }
0x2e: {  	[sflag:s15] =	ssyncadd.s32 $0xFFFFD800  }
0x2f: {  	[spmem:s4] =	stream.indirect.scatter [tilespmem:s16], [sflag:$0x1], $0x10, s18, s17, $0xb8;
	[tilespmem:$0x1B480] =	vst v63  }
0x30: {  	_ =	swait.ge [sflag:s15], $0x500  }
0x31: {  	[sflag:s15] =	ssyncset.done $0x0  }
0x32: {  	[sflag:s15] =	ssyncadd.s32 $0xFFFFFB00  }
0x33: {  	[bflag:$0x0] =	sbarrier.arrive $0xFFFF  }
0x34: {  	[tilespmem:s5], [sflag:$0x1] =	stream.linear.gather [hbm4b:s11+s5], $0x50, $0x38;
	[tilespmem:$0x1B480] =	vst v63  }
0x35: {  	_ =	swait.ge [sflag:s15], $0x50  }
0x36: {  	[sflag:s15] =	ssyncset.done $0x0  }
0x37: {  	s20 =	sadd.s32 $0x0, s9;
	[sflag:s15] =	ssyncadd.s32 $0xFFFFFFB0  }
0x38: {  	[tilespmem:s14], [sflag:$0x1] =	stream.linear.gather [hbm4b:s20+s5], $0x2800, $0x38;
	[tilespmem:$0x1B480] =	vst v63  }
0x39: {  	_ =	swait.ge [sflag:s15], $0x2800  }
0x3a: {  	[sflag:s15] =	ssyncset.done $0x0  }
0x3b: {  	s31 =	sadd.s32 $0x0, s10;
	[sflag:s15] =	ssyncadd.s32 $0xFFFFD800  }
0x3c: {  	[tilespmem:s16], [sflag:$0x1] =	stream.linear.gather [hbm4b:s31+s5], $0x2800, $0x38;
	[tilespmem:$0x1B480] =	vst v63  }
0x3d: {  	_ =	swait.ge [sflag:s15], $0x2800  }
0x3e: {  	[sflag:s15] =	ssyncset.done $0x0  }
0x3f: {  	[sflag:s15] =	ssyncadd.s32 $0xFFFFD800  }
0x40: {  	[spmem:s3] =	stream.indirect.scatter.add.f32 [tilespmem:s14], [sflag:$0x1], $0x80, s5, s17, $0xb8;
	[tilespmem:$0x1B480] =	vst v63  }
0x41: {  	_ =	swait.ge [sflag:s15], $0x2800  }
0x42: {  	[sflag:s15] =	ssyncset.done $0x0  }
0x43: {  	[sflag:s15] =	ssyncadd.s32 $0xFFFFD800  }
0x44: {  	[spmem:s4] =	stream.indirect.scatter.add.f32 [tilespmem:s16], [sflag:$0x1], $0x10, s5, s17, $0xb8;
	[tilespmem:$0x1B480] =	vst v63  }
0x45: {  	_ =	swait.ge [sflag:s15], $0x500  }
0x46: {  	s21 =	smov.u32 s11;
	s20 =	simm.s32 $0x500;
	[sflag:s15] =	ssyncset.done $0x0  }
.LBB2_4:
0x47: {  	p0 =	sne.s32 s20, $0x26C00;
	[sflag:s15] =	ssyncadd.s32 $0xFFFFFB00;
	s21 =	sadd.s32 $0xA, s21  }
0x48: {  	[tilespmem:s5], [sflag:$0x1] =	stream.linear.gather [hbm4b:s21+s5], $0x50, $0x38;
	[tilespmem:$0x1B480] =	vst v63  }
0x49: {  	s22 =	smov.u32 s20;
	s20 =	sadd.s32 $0x500, s20;
	_ =	swait.ge [sflag:s15], $0x50  }
0x4a: {  	[sflag:s15] =	ssyncset.done $0x0  }
0x4b: {  	s23 =	sadd.s32 s22, s9;
	[sflag:s15] =	ssyncadd.s32 $0xFFFFFFB0  }
0x4c: {  	[tilespmem:s14], [sflag:$0x1] =	stream.linear.gather [hbm4b:s23+s5], $0x2800, $0x38;
	[tilespmem:$0x1B480] =	vst v63  }
0x4d: {  	_ =	swait.ge [sflag:s15], $0x2800  }
0x4e: {  	[sflag:s15] =	ssyncset.done $0x0  }
0x4f: {  	s22 =	sadd.s32 s22, s10;
	[sflag:s15] =	ssyncadd.s32 $0xFFFFD800  }
0x50: {  	[tilespmem:s16], [sflag:$0x1] =	stream.linear.gather [hbm4b:s22+s5], $0x2800, $0x38;
	[tilespmem:$0x1B480] =	vst v63  }
0x51: {  	_ =	swait.ge [sflag:s15], $0x2800  }
0x52: {  	[sflag:s15] =	ssyncset.done $0x0  }
0x53: {  	[sflag:s15] =	ssyncadd.s32 $0xFFFFD800  }
0x54: {  	[spmem:s3] =	stream.indirect.scatter.add.f32 [tilespmem:s14], [sflag:$0x1], $0x80, s5, s17, $0xb8;
	[tilespmem:$0x1B480] =	vst v63  }
0x55: {  	_ =	swait.ge [sflag:s15], $0x2800  }
.Ltmp1:
0x56: {  	[sflag:s15] =	ssyncset.done $0x0;
	(pc) =	sbr.rel @p0 .LBB2_4-.Ltmp1, $4  }
0x57: {  	[sflag:s15] =	ssyncadd.s32 $0xFFFFD800  }
0x58: {  	[spmem:s4] =	stream.indirect.scatter.add.f32 [tilespmem:s16], [sflag:$0x1], $0x10, s5, s17, $0xb8;
	[tilespmem:$0x1B480] =	vst v63  }
0x59: {  	_ =	swait.ge [sflag:s15], $0x500  }
0x5a: {  	[sflag:s15] =	ssyncset.done $0x0  }
0x5b: {  	[sflag:s15] =	ssyncadd.s32 $0xFFFFFB00;
	s20 =	sadd.s32 $0x0, s7  }
0x5c: {  	[bflag:$0x0] =	sbarrier.arrive $0xFFFF;
	v1 =	vadd.s32 s20, v0;
	s21 =	sadd.s32 $0x10, s20  }
0x5d: {  	s22 =	sadd.s32 $0x40, s20;
	[tilespmem:$0x80] =	vst v1;
	v1 =	vadd.s32 s21, v0  }
0x5e: {  	s31 =	sadd.s32 $0x30, s20;
	v2 =	vadd.s32 s22, v0;
	[tilespmem:$0x90] =	vst v1  }
0x5f: {  	s20 =	sadd.s32 $0x20, s20;
	v1 =	vadd.s32 s31, v0;
	[tilespmem:$0xC0] =	vst v2  }
0x60: {  	[tilespmem:$0xB0] =	vst v1;
	v1 =	vadd.s32 s20, v0  }
0x61: {  	[tilespmem:$0xA0] =	vst v1  }
0x62: {  	[tilespmem:s14], [sflag:$0x1] =	stream.indirect.gather [spmem:s3], $0x80, s18, s17, $0xb8;
	[tilespmem:$0x1B480] =	vst v63  }
0x63: {  	_ =	swait.ge [sflag:s15], $0x2800  }
0x64: {  	[sflag:s15] =	ssyncset.done $0x0  }
0x65: {  	[sflag:s15] =	ssyncadd.s32 $0xFFFFD800  }
0x66: {  	[hbm4b:s12+s5] =	stream.linear.scatter [tilespmem:s14], [sflag:$0x1], $0x2800, $0x38;
	[tilespmem:$0x1B480] =	vst v63  }
0x67: {  	_ =	swait.ge [sflag:s15], $0x2800  }
0x68: {  	[sflag:s15] =	ssyncset.done $0x0  }
0x69: {  	[sflag:s15] =	ssyncadd.s32 $0xFFFFD800  }
0x6a: {  	[tilespmem:s16], [sflag:$0x1] =	stream.indirect.gather [spmem:s4], $0x10, s18, s17, $0xb8;
	[tilespmem:$0x1B480] =	vst v63  }
0x6b: {  	_ =	swait.ge [sflag:s15], $0x500  }
0x6c: {  	s23 =	smov.u32 s13;
	s21 =	sadd.s32 $0x500, s12;
	[sflag:s15] =	ssyncset.done $0x0  }
0x6d: {  	s22 =	sadd.s32 $0x500, s13;
	s20 =	simm.s32 $0x50;
	[sflag:s15] =	ssyncadd.s32 $0xFFFFFB00  }
.LBB2_6:
0x6e: {  	[hbm4b:s23+s5] =	stream.linear.scatter [tilespmem:s16], [sflag:$0x1], $0x2800, $0x38;
	[tilespmem:$0x1B480] =	vst v63  }
0x6f: {  	s24 =	smov.u32 s20;
	s23 =	smov.u32 s22  }
0x70: {  	p0 =	sne.s32 s20, $0x1E0;
	s20 =	sadd.s32 $0x50, s20;
	_ =	swait.ge [sflag:s15], $0x2800  }
0x71: {  	s24 =	sadd.s32 s24, s7;
	[sflag:s15] =	ssyncset.done $0x0  }
0x72: {  	v1 =	vadd.s32 s24, v0;
	s25 =	sadd.s32 $0x10, s24;
	s26 =	sadd.s32 $0x20, s24;
	[sflag:s15] =	ssyncadd.s32 $0xFFFFD800  }
0x73: {  	v2 =	vadd.s32 s26, v0;
	[tilespmem:$0x80] =	vst v1;
	v1 =	vadd.s32 s25, v0;
	s25 =	sadd.s32 $0x30, s24;
	s24 =	sadd.s32 $0x40, s24  }
0x74: {  	[tilespmem:$0x90] =	vst v1;
	v1 =	vadd.s32 s25, v0;
	v3 =	vadd.s32 s24, v0  }
0x75: {  	[tilespmem:$0xB0] =	vst v1  }
0x76: {  	[tilespmem:$0xC0] =	vst v3  }
0x77: {  	[tilespmem:$0xA0] =	vst v2  }
0x78: {  	[tilespmem:s14], [sflag:$0x1] =	stream.indirect.gather [spmem:s3], $0x80, s18, s17, $0xb8;
	[tilespmem:$0x1B480] =	vst v63  }
0x79: {  	_ =	swait.ge [sflag:s15], $0x2800  }
0x7a: {  	[sflag:s15] =	ssyncset.done $0x0  }
0x7b: {  	[sflag:s15] =	ssyncadd.s32 $0xFFFFD800  }
0x7c: {  	[hbm4b:s21+s5] =	stream.linear.scatter [tilespmem:s14], [sflag:$0x1], $0x2800, $0x38;
	[tilespmem:$0x1B480] =	vst v63  }
0x7d: {  	_ =	swait.ge [sflag:s15], $0x2800  }
0x7e: {  	[sflag:s15] =	ssyncset.done $0x0  }
.Ltmp2:
0x7f: {  	[sflag:s15] =	ssyncadd.s32 $0xFFFFD800;
	(pc) =	sbr.rel @p0 .LBB2_6-.Ltmp2, $4  }
0x80: {  	[tilespmem:s16], [sflag:$0x1] =	stream.indirect.gather [spmem:s4], $0x10, s18, s17, $0xb8;
	[tilespmem:$0x1B480] =	vst v63  }
0x81: {  	_ =	swait.ge [sflag:s15], $0x500  }
0x82: {  	[sflag:s15] =	ssyncset.done $0x0  }
0x83: {  	s22 =	sadd.s32 $0x500, s22;
	s21 =	sadd.s32 $0x500, s21;
	[sflag:s15] =	ssyncadd.s32 $0xFFFFFB00  }
0x84: {  	s19 =	sadd.s32 $0x1, s19  }
0x85: {  	p0 =	sne.s32 s19, s8  }
.Ltmp3:
0x86: {  	_ = 	snop;
	(pc) =	sbr.rel @p0 .LBB2_1-.Ltmp3, $4  }
0x87: {  	[hbm4b:s23+s5] =	stream.linear.scatter [tilespmem:s16], [sflag:$0x1], $0x2800, $0x38;
	[tilespmem:$0x1B480] =	vst v63  }
0x88: {  	_ =	swait.ge [sflag:s15], $0x2800  }
0x89: {  	[sflag:s15] =	ssyncset.done $0x0  }
0x8a: {  	[sflag:s15] =	ssyncadd.s32 $0xFFFFD800  }
0x8b: {  	_ =	sfence.sel $0x180000  }
0x8c: {  	[bflag:$0x0] =	sbarrier.arrive $0xFFFF  }
0x8d: {  	p0 =	sne.s32 s0, $0x0;
	_ =	strace $0x9000004A  }
0x8e: {  	s0 =	sadd.s32 @!p0 $0x100000, s2;
	[bflag:$0x2] =	sbarrier.arrive $0xFFFF  }
0x8f: {  	[sflag:s0] =	ssyncadd.tile.s32 @!p0 $0x1;
	_ =	shalt  }
.Lfunc_end2:
_tile_overlayer_lowered:
.L_overlay_start_2:
0x90: {  	(tag) =	ssettag $0x2  }
0x91: {  	s0 =	rddreg [dreg:$0x0];
	s2 =	stileid.u32  }
0x92: {  	s1 =	rddreg [dreg:$0x1];
	p0 =	sne.s32 s2, $0x0  }
0x93: {  	s3 =	rddreg [dreg:$0x2];
	[bflag:$0x3] =	sbarrier.arrive $0xFFFF;
	s2 =	simm.s32 @!p0 $0x1C01  }
0x94: {  	[timem:s3], [sflag:s2] =	dma.local @!p0 [hbm:s0], s1  }
0x95: {  	s0 =	simm.s32 @!p0 $0x1  }
0x96: {  	_ =	swait.ge @!p0 [sflag:s0], s1  }
0x97: {  	s1 =	ssub.s32 @!p0 $0x0, s1;
	[sflag:s0] =	ssyncset.done @!p0 $0x0  }
0x98: {  	[sflag:s0] =	ssyncadd.s32 @!p0 s1  }
0x99: {  	[bflag:$0x3] =	sbarrier.arrive $0xFFFF  }
0x9a: {  	_ =	shalt  }

// kernel: kernel.19.cloned.1.call-start
scs
__scs_entry_jumppad:
0x0: {  	(pc) =	sbr.rel $0x88, $3  }
0x1: {  	(tag) =	ssettag $0x0;
	lr =	simm.s32 $0x1  }
0x2: {  	[smem:$0x3F62] =	sst lr;
	_ =	strace $0xD0000000  }
0x3: {  	_ = 	snop  }
0x4: {  	_ = 	snop  }
0x5: {  	_ = 	snop  }
0x6: {  	_ = 	snop  }
0x7: {  	_ = 	snop  }
__scs_overlays_trampoline_lowered:
0x8: {  	[smem:$0x3F71] =	sst s0  }
0x9: {  	[smem:$0x3F72] =	sst s1  }
0xa: {  	[smem:$0x3F73] =	sst s2  }
0xb: {  	[smem:$0x3F74] =	sst s3  }
0xc: {  	[smem:$0x3F75] =	sst s4  }
0xd: {  	[smem:$0x3F76] =	sst s5  }
0xe: {  	[smem:$0x3F77] =	sst s6  }
0xf: {  	[smem:$0x3F78] =	sst s7  }
0x10: {  	[smem:$0x3F79] =	sst s8  }
0x11: {  	[smem:$0x3F7A] =	sst s9;
	s0 =	simm.s32 @!p0 $0x0  }
0x12: {  	s1 =	sld [smem:$0x3F60];
	s0 =	simm.s32 @p0 $0x1  }
0x13: {  	[smem:$0x3F7B] =	sst s0;
	s0 =	simm.s32 @!p1 $0x0  }
0x14: {  	s2 =	sld [smem:$0x3F5F];
	s0 =	simm.s32 @p1 $0x1  }
0x15: {  	[smem:$0x3F7C] =	sst s0;
	s0 =	simm.s32 @!p2 $0x0  }
0x16: {  	s3 =	sld [smem:$0x3FDB];
	s0 =	simm.s32 @p2 $0x1  }
0x17: {  	s4 =	simm.s32 $0x1BF5;
	[smem:$0x3F7E] =	sst s0  }
0x18: {  	s0 =	sld [smem:$0x3F61];
	_ =	swait.ge [sflag:s4], $0x0  }
0x19: {  	s7 =	sld [smem:$0x3F62]  }
0x1a: {  	s8 =	sadd.s32 $0xFFFFE003, lr  }
0x1b: {  	s9 =	sadd.s32 $0xFFFFFEF7, lr;
	s5 =	simm.s32 $0xFFFFFFFF;
	p2 =	slt.u32 s8, $0xFFFFF086  }
0x1c: {  	p1 =	slt.u32 s9, $0xF7A;
	s5 =	simm.s32 @!p2 $0x0  }
0x1d: {  	s5 =	simm.s32 @p1 $0x1;
	p0 =	seq.s32 s7, s2  }
0x1e: {  	s7 =	smul.u32 @!p0 $0xF7A, s2;
	p2 =	seq.s32 @!p0 s5, $0x0  }
0x1f: {  	s9 =	smul.u32 $0xF7A, s1;
	s8 =	simm.s32 @!p0 $0x1BF5;
	p2 =	por !p2, p0  }
0x20: {  	[sflag:s8] =	ssyncset.s32 @!p0 $0xFFFFF086;
	s6 =	sadd.s32 @!p0 s3, s7;
	s7 =	simm.s32 @!p0 $0x108  }
0x21: {  	s3 =	sadd.s32 s3, s9;
	s6 =	sadd.s32 @!p0 $0x88, s6;
	s7 =	simm.s32 @p2 $0x1082  }
0x22: {  	[simem:s7], [sflag:s8] =	dma.local @!p0 [hbm:s6], $0xF7A  }
0x23: {  	s9 =	sor.u32 $0xD0000000, s2;
	s6 =	simm.s32 $0x108;
	_ =	swait.ge @!p0 [sflag:s8], $0x0  }
0x24: {  	s3 =	sadd.s32 $0x88, s3;
	s6 =	simm.s32 @!p1 $0x1082;
	[sflag:s4] =	ssyncset.s32 $0xFFFFF086  }
0x25: {  	[simem:s6], [sflag:s4] =	dma.local [hbm:s3], $0xF7A  }
0x26: {  	[smem:$0x3F62] =	sst s1;
	(tag) =	ssettag s2;
	_ =	strace s9  }
0x27: {  	s1 =	sld [smem:$0x3F72]  }
0x28: {  	s2 =	sld [smem:$0x3F73]  }
0x29: {  	s4 =	sld [smem:$0x3F75]  }
0x2a: {  	p0 =	seq.s32 s5, $0x0;
	s5 =	sld [smem:$0x3F76]  }
0x2b: {  	s6 =	sld [smem:$0x3F77]  }
0x2c: {  	s7 =	sld [smem:$0x3F78]  }
0x2d: {  	s3 =	simm.s32 $0x108;
	s8 =	sld [smem:$0x3F79]  }
0x2e: {  	s3 =	simm.s32 @!p0 $0x1082;
	s9 =	sld [smem:$0x3F7A]  }
0x2f: {  	lr =	sadd.s32 s0, s3;
	s0 =	sld [smem:$0x3F71]  }
0x30: {  	s3 =	sld [smem:$0x3F74]  }
0x31: {  	[smem:$0x3F7D] =	sst s10  }
0x32: {  	s10 =	sld [smem:$0x3F7B];
	_ =	sdelay $0x3  }
0x33: {  	p0 =	seq.s32 s10, $0x1;
	s10 =	sld [smem:$0x3F7D];
	_ =	sdelay $0x3  }
0x34: {  	[smem:$0x3F7D] =	sst s10  }
0x35: {  	s10 =	sld [smem:$0x3F7C];
	_ =	sdelay $0x3  }
0x36: {  	p1 =	seq.s32 s10, $0x1;
	s10 =	sld [smem:$0x3F7D];
	_ =	sdelay $0x3  }
0x37: {  	[smem:$0x3F7D] =	sst s10  }
0x38: {  	s10 =	sld [smem:$0x3F7E]  }
0x39: {  	_ = 	snop;
	(pc) =	sbr.ind lr, $3  }
0x3a: {  	_ = 	snop  }
0x3b: {  	_ = 	snop  }
0x3c: {  	p2 =	seq.s32 s10, $0x1;
	s10 =	sld [smem:$0x3F7D]  }
0x3d: {  	_ =	shalt  }
0x3e: {  	_ =	shalt  }
0x3f: {  	_ =	shalt  }
0x40: {  	_ =	shalt  }
0x41: {  	_ =	shalt  }
0x42: {  	_ =	shalt  }
0x43: {  	_ =	shalt  }
0x44: {  	_ =	shalt  }
0x45: {  	_ =	shalt  }
0x46: {  	_ =	shalt  }
0x47: {  	_ =	shalt  }
0x48: {  	_ =	shalt  }
0x49: {  	_ =	shalt  }
0x4a: {  	_ =	shalt  }
0x4b: {  	_ =	shalt  }
0x4c: {  	_ =	shalt  }
0x4d: {  	_ =	shalt  }
0x4e: {  	_ =	shalt  }
0x4f: {  	_ =	shalt  }
0x50: {  	_ =	shalt  }
0x51: {  	_ =	shalt  }
0x52: {  	_ =	shalt  }
0x53: {  	_ =	shalt  }
0x54: {  	_ =	shalt  }
0x55: {  	_ =	shalt  }
0x56: {  	_ =	shalt  }
0x57: {  	_ =	shalt  }
0x58: {  	_ =	shalt  }
0x59: {  	_ =	shalt  }
0x5a: {  	_ =	shalt  }
0x5b: {  	_ =	shalt  }
0x5c: {  	_ =	shalt  }
0x5d: {  	_ =	shalt  }
0x5e: {  	_ =	shalt  }
0x5f: {  	_ =	shalt  }
0x60: {  	_ =	shalt  }
0x61: {  	_ =	shalt  }
0x62: {  	_ =	shalt  }
0x63: {  	_ =	shalt  }
0x64: {  	_ =	shalt  }
0x65: {  	_ =	shalt  }
0x66: {  	_ =	shalt  }
0x67: {  	_ =	shalt  }
0x68: {  	_ =	shalt  }
0x69: {  	_ =	shalt  }
0x6a: {  	_ =	shalt  }
0x6b: {  	_ =	shalt  }
0x6c: {  	_ =	shalt  }
0x6d: {  	_ =	shalt  }
0x6e: {  	_ =	shalt  }
0x6f: {  	_ =	shalt  }
0x70: {  	_ =	shalt  }
0x71: {  	_ =	shalt  }
0x72: {  	_ =	shalt  }
0x73: {  	_ =	shalt  }
0x74: {  	_ =	shalt  }
0x75: {  	_ =	shalt  }
0x76: {  	_ =	shalt  }
0x77: {  	_ =	shalt  }
0x78: {  	_ =	shalt  }
0x79: {  	_ =	shalt  }
0x7a: {  	_ =	shalt  }
0x7b: {  	_ =	shalt  }
0x7c: {  	_ =	shalt  }
0x7d: {  	_ =	shalt  }
0x7e: {  	_ =	shalt  }
0x7f: {  	_ =	shalt  }
0x80: {  	_ =	shalt  }
0x81: {  	_ =	shalt  }
0x82: {  	_ =	shalt  }
0x83: {  	_ =	shalt  }
0x84: {  	_ =	shalt  }
0x85: {  	_ =	shalt  }
0x86: {  	_ =	shalt  }
0x87: {  	_ =	shalt  }
.Lfunc_end0:
.L_simem_size_0:
called_computation.2_lowered:
.L_overlay_start_0:
0x88: {  	s2 =	sld [smem:$0x3FD9]  }
0x89: {  	s3 =	sld [smem:$0x3FFE];
	_ =	sdelay $0x1  }
0x8a: {  	s1 =	srdreg.scid  }
0x8b: {  	s0 =	sand.u32 $0x1, s1  }
0x8c: {  	s16 =	sshll.u32 s0, $0xA;
	s2 =	sadd.s32 s3, s2  }
0x8d: {  	s2 =	sadd.s32 s2, s16  }
0x8e: {  	[smem:$0x3F89] =	sst s2  }
0x8f: {  	_ = 	snop  }
0x90: {  	(tm) =	ssettm $0x1  }
0x91: {  	s17 =	sld [smem:$0x3FFB];
	_ =	sdelay $0x3  }
0x92: {  	_ =	strace s17  }
0x93: {  	s2 =	sld [smem:$0x3FFC];
	_ =	sdelay $0x3  }
0x94: {  	_ =	strace s2  }
0x95: {  	s2 =	sld [smem:$0x3FFD];
	_ =	sdelay $0x3  }
0x96: {  	_ =	strace s2  }
0x97: {  	_ =	strace $0x8FFFFFFF  }
0x98: {  	s18 =	sld [smem:$0x3FDB];
	_ =	sdelay $0x1  }
0x99: {  	s19 =	simm.s32 $_scs_section_size  }
0x9a: {  	s4 =	simm.s32 $_size__tile_overlayer_lowered;
	s5 =	simm.s32 $_tile_overlayer_lowered  }
0x9b: {  	s22 =	simm.s32 $0x1BFF;
	s21 =	sshll.u32 s5, $0x1;
	s2 =	sadd.s32 s19, s18  }
0x9c: {  	s6 =	simm.s32 $0x0;
	s20 =	sshll.u32 s4, $0x1;
	s4 =	sadd.s32 s21, s2  }
0x9d: {  	[timem:s6], [sflag:s22] =	dma.local [hbm:s4], s20  }
0x9e: {  	_ =	swait.ge [sflag:s22], s20  }
0x9f: {  	s3 =	ssub.s32 $0x0, s20;
	[sflag:s22] =	ssyncset.done $0x0  }
0xa0: {  	[sflag:s22] =	ssyncadd.s32 s3;
	_ =	sdelay $0x1  }
0xa1: {  	s23 =	simm.s32 $0x1B8B  }
0xa2: {  	_ =	swait.ge [sflag:s23], $0x1  }
0xa3: {  	[sflag:s23] =	ssyncset.done $0x0  }
0xa4: {  	s25 =	simm.s32 $0x1B8E;
	s24 =	sld [smem:$0x3FFE];
	[sflag:s23] =	ssyncadd.s32 $0xFFFFFFFF  }
0xa5: {  	s26 =	simm.s32 $execute0_lowered;
	[smem:$0x3FD2] =	sst s25  }
0xa6: {  	s4 =	sshll.u32 s26, $0x1;
	_ =	strace $0x8000004C;
	[dreg:$0x1] =	wrdreg $0xFFFFFFFF  }
0xa7: {  	s28 =	simm.s32 $_size_execute0_lowered;
	s2 =	sadd.s32 s2, s4;
	[dreg:$0x0] =	wrdreg $0x0  }
0xa8: {  	s4 =	sshll.u32 s28, $0x1;
	[dreg:$0x2] =	wrdreg s2  }
0xa9: {  	[dreg:$0x3] =	wrdreg s4  }
0xaa: {  	[dreg:$0x4] =	wrdreg $0xC0  }
0xab: {  	_ =	task [dreg:s6], $0x5FFFF  }
0xac: {  	[dreg:$0x1] =	wrdreg $0xFFFFFFFF  }
0xad: {  	[dreg:$0x0] =	wrdreg $0x60  }
0xae: {  	[dreg:$0x2] =	wrdreg s24  }
0xaf: {  	[dreg:$0x3] =	wrdreg $0x9  }
0xb0: {  	_ =	task.clear_ibuf [dreg:s6], $0x4FFFF;
	_ =	strace $0x9000004C  }
0xb1: {  	s29 =	simm.s32 $0x9;
	_ =	strace $0x8000004E  }
0xb2: {  	_ =	swait.ge [sflag:s29], $0x1  }
0xb3: {  	[sflag:s29] =	ssyncadd.s32 $0xFFFFFFFF  }
0xb4: {  	_ =	strace $0x9000004E  }
0xb5: {  	_ =	sfence  }
0xb6: {  	s30 =	sld [smem:$0x0];
	_ =	sdelay $0x2  }
0xb7: {  	s31 =	sshll.u32 s1, $0xD;
	s1 =	sshrl.u32 s1, $0x2  }
0xb8: {  	s3 =	sand.u32 $0x4000, s31;
	s1 =	sadd.s32 s1, s30  }
0xb9: {  	s0 =	sor.u32 s3, s0;
	s1 =	sshll.u32 s1, $0x11  }
0xba: {  	s0 =	sor.u32 s1, s0  }
0xbb: {  	s0 =	sadd.s32 $0x8F2B, s0  }
0xbc: {  	[sflag:s0] =	ssyncadd.remote.s32 $0x1  }
0xbd: {  	_ =	sfence.sel $0xFFFF  }
0xbe: {  	[dreg:$0x0] =	wrdreg $0xFFFFFFFF;
	(pc) =	sbr.abs _section_cstart, $3  }
0xbf: {  	[dreg:$0x1] =	wrdreg $0xFFFFFFFF  }
0xc0: {  	_ =	task.clear_ibuf [dreg:s6], $0x2FFFF;
	_ =	strace $0x9FFFFFFF  }
0xc1: {  	(tm) =	ssettm $0x7FFFFFFF  }
tec
execute0_lowered:
.L_overlay_start_1:
0x0: {  	(tag) =	ssettag $0x1  }
0x1: {  	s4 =	rddreg [dreg:$0x0]  }
0x2: {  	s0 =	rddreg [dreg:$0x1]  }
0x3: {  	s3 =	srdreg.scid;
	s1 =	stileid.u32;
	s2 =	simm.s32 $0x0  }
0x4: {  	s10 =	simm.s32 $0x1;
	s11 =	simm.s32 $0x0;
	s6 =	smul.u32 $0x4E20, s1  }
0x5: {  	s5 =	sand.u32 $0x1, s3;
	[smem:$0x7FF] =	sst s2;
	s8 =	smul.u32 $0x4E200, s1  }
0x6: {  	s3 =	sadd.s32 $0x1E800, s4;
	s7 =	smul.u32 $0x2710, s5;
	s9 =	ssub.s32 $0x2, s5  }
0x7: {  	_ =	strace $0x8000004D;
	s5 =	smul.u32 $0x27100, s5;
	s31 =	sshrl.u32 s9, $0x1  }
0x8: {  	s30 =	sadd.s32 s8, s4;
	s6 =	sadd.s32 s7, s6;
	s8 =	ssub.s32 s9, s31  }
0x9: {  	s5 =	sadd.s32 s5, s30;
	s7 =	simm.s32 $0x2;
	s6 =	sshrl.u32 s6, $0x3  }
0xa: {  	s9 =	simm.s32 $0x80;
	s5 =	sadd.s32 $0x46000, s5;
	s6 =	sadd.s32 s6, s4  }
0xb: {  	s4 =	smax.u32 s8, $0x1;
	s8 =	simm.s32 $0x50;
	s6 =	sadd.s32 $0xAC00, s6  }
.LBB2_1:
0xc: {  	s12 =	sadd.s32 $0x0, s6  }
0xd: {  	[tilespmem:s2], [sflag:$0x2] =	stream.linear.gather [hbm4b:s12+s2], $0x50, $0x38;
	[tilespmem:$0x2880] =	vst v63  }
0xe: {  	_ =	swait.ge [sflag:s7], $0x50  }
0xf: {  	[sflag:s7] =	ssyncset.done $0x0  }
0x10: {  	[sflag:s7] =	ssyncadd.s32 $0xFFFFFFB0  }
0x11: {  	[tilespmem:s9], [sflag:$0x1] =	stream.indirect.gather [hbm4b:s3+s8], $0x80, s2, s8, $0xb8;
	[tilespmem:$0x2880] =	vst v63  }
0x12: {  	_ =	swait.ge [sflag:s10], $0x2800  }
0x13: {  	[sflag:s10] =	ssyncset.done $0x0  }
0x14: {  	[sflag:s10] =	ssyncadd.s32 $0xFFFFD800  }
0x15: {  	[hbm4b:s5+s2] =	stream.linear.scatter [tilespmem:s9], [sflag:$0x2], $0x2800, $0x38;
	[tilespmem:$0x2880] =	vst v63  }
0x16: {  	s13 =	simm.s32 $0xA;
	_ =	swait.ge [sflag:s7], $0x2800  }
0x17: {  	s14 =	simm.s32 $0x14;
	s12 =	sadd.s32 $0x500, s5;
	[sflag:s7] =	ssyncset.done $0x0  }
.LBB2_2:
0x18: {  	s15 =	sadd.s32 s13, s6  }
0x19: {  	[sflag:s7] =	ssyncadd.s32 $0xFFFFD800;
	s13 =	smov.u32 s14;
	s16 =	sadd.s32 $0xA, s14  }
0x1a: {  	[tilespmem:s2], [sflag:$0x2] =	stream.linear.gather [hbm4b:s15+s2], $0x50, $0x38;
	[tilespmem:$0x2880] =	vst v63  }
0x1b: {  	p0 =	sne.s32 s14, $0x4D8;
	_ =	swait.ge [sflag:s7], $0x50  }
0x1c: {  	[sflag:s7] =	ssyncset.done $0x0  }
0x1d: {  	[sflag:s7] =	ssyncadd.s32 $0xFFFFFFB0  }
0x1e: {  	[tilespmem:s9], [sflag:$0x1] =	stream.indirect.gather [hbm4b:s3+s8], $0x80, s2, s8, $0xb8;
	[tilespmem:$0x2880] =	vst v63  }
0x1f: {  	_ =	swait.ge [sflag:s10], $0x2800  }
.Ltmp0:
0x20: {  	[sflag:s10] =	ssyncset.done $0x0;
	(pc) =	sbr.rel @p0 .LBB2_2-.Ltmp0, $4  }
0x21: {  	[sflag:s10] =	ssyncadd.s32 $0xFFFFD800  }
0x22: {  	[hbm4b:s12+s2] =	stream.linear.scatter [tilespmem:s9], [sflag:$0x2], $0x2800, $0x38;
	[tilespmem:$0x2880] =	vst v63  }
0x23: {  	_ =	swait.ge [sflag:s7], $0x2800  }
0x24: {  	s14 =	smov.u32 s16;
	s12 =	sadd.s32 $0x500, s12;
	[sflag:s7] =	ssyncset.done $0x0  }
0x25: {  	s13 =	sadd.s32 s13, s6;
	[sflag:s7] =	ssyncadd.s32 $0xFFFFD800  }
0x26: {  	[tilespmem:s2], [sflag:$0x2] =	stream.linear.gather [hbm4b:s13+s2], $0x50, $0x38;
	[tilespmem:$0x2880] =	vst v63  }
0x27: {  	_ =	swait.ge [sflag:s7], $0x50  }
0x28: {  	[sflag:s7] =	ssyncset.done $0x0  }
0x29: {  	[sflag:s7] =	ssyncadd.s32 $0xFFFFFFB0  }
0x2a: {  	[tilespmem:s9], [sflag:$0x1] =	stream.indirect.gather [hbm4b:s3+s8], $0x80, s2, s8, $0xb8;
	[tilespmem:$0x2880] =	vst v63  }
0x2b: {  	s11 =	sadd.s32 $0x1, s11;
	_ =	swait.ge [sflag:s10], $0x2800  }
0x2c: {  	p0 =	sne.s32 s11, s4;
	[sflag:s10] =	ssyncset.done $0x0  }
.Ltmp1:
0x2d: {  	[sflag:s10] =	ssyncadd.s32 $0xFFFFD800;
	(pc) =	sbr.rel @p0 .LBB2_1-.Ltmp1, $4  }
0x2e: {  	[hbm4b:s12+s2] =	stream.linear.scatter [tilespmem:s9], [sflag:$0x2], $0x2800, $0x38;
	[tilespmem:$0x2880] =	vst v63  }
0x2f: {  	_ =	swait.ge [sflag:s7], $0x2800  }
0x30: {  	[sflag:s7] =	ssyncset.done $0x0  }
0x31: {  	[sflag:s7] =	ssyncadd.s32 $0xFFFFD800  }
0x32: {  	_ =	sfence.sel $0x180000  }
0x33: {  	[bflag:$0x0] =	sbarrier.arrive $0xFFFF  }
0x34: {  	p0 =	sne.s32 s1, $0x0;
	_ =	strace $0x9000004D  }
0x35: {  	s0 =	sadd.s32 @!p0 $0x100000, s0;
	[bflag:$0x2] =	sbarrier.arrive $0xFFFF  }
0x36: {  	[sflag:s0] =	ssyncadd.tile.s32 @!p0 $0x1;
	_ =	shalt  }
.Lfunc_end2:
_tile_overlayer_lowered:
.L_overlay_start_2:
0x37: {  	(tag) =	ssettag $0x2  }
0x38: {  	s0 =	rddreg [dreg:$0x0];
	s2 =	stileid.u32  }
0x39: {  	s1 =	rddreg [dreg:$0x1];
	p0 =	sne.s32 s2, $0x0  }
0x3a: {  	s3 =	rddreg [dreg:$0x2];
	[bflag:$0x3] =	sbarrier.arrive $0xFFFF;
	s2 =	simm.s32 @!p0 $0x1C02  }
0x3b: {  	[timem:s3], [sflag:s2] =	dma.local @!p0 [hbm:s0], s1  }
0x3c: {  	s0 =	simm.s32 @!p0 $0x2  }
0x3d: {  	_ =	swait.ge @!p0 [sflag:s0], s1  }
0x3e: {  	s1 =	ssub.s32 @!p0 $0x0, s1;
	[sflag:s0] =	ssyncset.done @!p0 $0x0  }
0x3f: {  	[sflag:s0] =	ssyncadd.s32 @!p0 s1  }
0x40: {  	[bflag:$0x3] =	sbarrier.arrive $0xFFFF  }
0x41: {  	_ =	shalt  }

// kernel: kernel.22.cloned.1.call-start
scs
__scs_entry_jumppad:
0x0: {  	(pc) =	sbr.rel $0x88, $3  }
0x1: {  	(tag) =	ssettag $0x0;
	lr =	simm.s32 $0x1  }
0x2: {  	[smem:$0x3F62] =	sst lr;
	_ =	strace $0xD0000000  }
0x3: {  	_ = 	snop  }
0x4: {  	_ = 	snop  }
0x5: {  	_ = 	snop  }
0x6: {  	_ = 	snop  }
0x7: {  	_ = 	snop  }
__scs_overlays_trampoline_lowered:
0x8: {  	[smem:$0x3F71] =	sst s0  }
0x9: {  	[smem:$0x3F72] =	sst s1  }
0xa: {  	[smem:$0x3F73] =	sst s2  }
0xb: {  	[smem:$0x3F74] =	sst s3  }
0xc: {  	[smem:$0x3F75] =	sst s4  }
0xd: {  	[smem:$0x3F76] =	sst s5  }
0xe: {  	[smem:$0x3F77] =	sst s6  }
0xf: {  	[smem:$0x3F78] =	sst s7  }
0x10: {  	[smem:$0x3F79] =	sst s8  }
0x11: {  	[smem:$0x3F7A] =	sst s9;
	s0 =	simm.s32 @!p0 $0x0  }
0x12: {  	s1 =	sld [smem:$0x3F60];
	s0 =	simm.s32 @p0 $0x1  }
0x13: {  	[smem:$0x3F7B] =	sst s0;
	s0 =	simm.s32 @!p1 $0x0  }
0x14: {  	s2 =	sld [smem:$0x3F5F];
	s0 =	simm.s32 @p1 $0x1  }
0x15: {  	[smem:$0x3F7C] =	sst s0;
	s0 =	simm.s32 @!p2 $0x0  }
0x16: {  	s3 =	sld [smem:$0x3FDB];
	s0 =	simm.s32 @p2 $0x1  }
0x17: {  	s4 =	simm.s32 $0x1BF5;
	[smem:$0x3F7E] =	sst s0  }
0x18: {  	s0 =	sld [smem:$0x3F61];
	_ =	swait.ge [sflag:s4], $0x0  }
0x19: {  	s7 =	sld [smem:$0x3F62]  }
0x1a: {  	s8 =	sadd.s32 $0xFFFFE003, lr  }
0x1b: {  	s9 =	sadd.s32 $0xFFFFFEF7, lr;
	s5 =	simm.s32 $0xFFFFFFFF;
	p2 =	slt.u32 s8, $0xFFFFF086  }
0x1c: {  	p1 =	slt.u32 s9, $0xF7A;
	s5 =	simm.s32 @!p2 $0x0  }
0x1d: {  	s5 =	simm.s32 @p1 $0x1;
	p0 =	seq.s32 s7, s2  }
0x1e: {  	s7 =	smul.u32 @!p0 $0xF7A, s2;
	p2 =	seq.s32 @!p0 s5, $0x0  }
0x1f: {  	s9 =	smul.u32 $0xF7A, s1;
	s8 =	simm.s32 @!p0 $0x1BF5;
	p2 =	por !p2, p0  }
0x20: {  	[sflag:s8] =	ssyncset.s32 @!p0 $0xFFFFF086;
	s6 =	sadd.s32 @!p0 s3, s7;
	s7 =	simm.s32 @!p0 $0x108  }
0x21: {  	s3 =	sadd.s32 s3, s9;
	s6 =	sadd.s32 @!p0 $0x88, s6;
	s7 =	simm.s32 @p2 $0x1082  }
0x22: {  	[simem:s7], [sflag:s8] =	dma.local @!p0 [hbm:s6], $0xF7A  }
0x23: {  	s9 =	sor.u32 $0xD0000000, s2;
	s6 =	simm.s32 $0x108;
	_ =	swait.ge @!p0 [sflag:s8], $0x0  }
0x24: {  	s3 =	sadd.s32 $0x88, s3;
	s6 =	simm.s32 @!p1 $0x1082;
	[sflag:s4] =	ssyncset.s32 $0xFFFFF086  }
0x25: {  	[simem:s6], [sflag:s4] =	dma.local [hbm:s3], $0xF7A  }
0x26: {  	[smem:$0x3F62] =	sst s1;
	(tag) =	ssettag s2;
	_ =	strace s9  }
0x27: {  	s1 =	sld [smem:$0x3F72]  }
0x28: {  	s2 =	sld [smem:$0x3F73]  }
0x29: {  	s4 =	sld [smem:$0x3F75]  }
0x2a: {  	p0 =	seq.s32 s5, $0x0;
	s5 =	sld [smem:$0x3F76]  }
0x2b: {  	s6 =	sld [smem:$0x3F77]  }
0x2c: {  	s7 =	sld [smem:$0x3F78]  }
0x2d: {  	s3 =	simm.s32 $0x108;
	s8 =	sld [smem:$0x3F79]  }
0x2e: {  	s3 =	simm.s32 @!p0 $0x1082;
	s9 =	sld [smem:$0x3F7A]  }
0x2f: {  	lr =	sadd.s32 s0, s3;
	s0 =	sld [smem:$0x3F71]  }
0x30: {  	s3 =	sld [smem:$0x3F74]  }
0x31: {  	[smem:$0x3F7D] =	sst s10  }
0x32: {  	s10 =	sld [smem:$0x3F7B];
	_ =	sdelay $0x3  }
0x33: {  	p0 =	seq.s32 s10, $0x1;
	s10 =	sld [smem:$0x3F7D];
	_ =	sdelay $0x3  }
0x34: {  	[smem:$0x3F7D] =	sst s10  }
0x35: {  	s10 =	sld [smem:$0x3F7C];
	_ =	sdelay $0x3  }
0x36: {  	p1 =	seq.s32 s10, $0x1;
	s10 =	sld [smem:$0x3F7D];
	_ =	sdelay $0x3  }
0x37: {  	[smem:$0x3F7D] =	sst s10  }
0x38: {  	s10 =	sld [smem:$0x3F7E]  }
0x39: {  	_ = 	snop;
	(pc) =	sbr.ind lr, $3  }
0x3a: {  	_ = 	snop  }
0x3b: {  	_ = 	snop  }
0x3c: {  	p2 =	seq.s32 s10, $0x1;
	s10 =	sld [smem:$0x3F7D]  }
0x3d: {  	_ =	shalt  }
0x3e: {  	_ =	shalt  }
0x3f: {  	_ =	shalt  }
0x40: {  	_ =	shalt  }
0x41: {  	_ =	shalt  }
0x42: {  	_ =	shalt  }
0x43: {  	_ =	shalt  }
0x44: {  	_ =	shalt  }
0x45: {  	_ =	shalt  }
0x46: {  	_ =	shalt  }
0x47: {  	_ =	shalt  }
0x48: {  	_ =	shalt  }
0x49: {  	_ =	shalt  }
0x4a: {  	_ =	shalt  }
0x4b: {  	_ =	shalt  }
0x4c: {  	_ =	shalt  }
0x4d: {  	_ =	shalt  }
0x4e: {  	_ =	shalt  }
0x4f: {  	_ =	shalt  }
0x50: {  	_ =	shalt  }
0x51: {  	_ =	shalt  }
0x52: {  	_ =	shalt  }
0x53: {  	_ =	shalt  }
0x54: {  	_ =	shalt  }
0x55: {  	_ =	shalt  }
0x56: {  	_ =	shalt  }
0x57: {  	_ =	shalt  }
0x58: {  	_ =	shalt  }
0x59: {  	_ =	shalt  }
0x5a: {  	_ =	shalt  }
0x5b: {  	_ =	shalt  }
0x5c: {  	_ =	shalt  }
0x5d: {  	_ =	shalt  }
0x5e: {  	_ =	shalt  }
0x5f: {  	_ =	shalt  }
0x60: {  	_ =	shalt  }
0x61: {  	_ =	shalt  }
0x62: {  	_ =	shalt  }
0x63: {  	_ =	shalt  }
0x64: {  	_ =	shalt  }
0x65: {  	_ =	shalt  }
0x66: {  	_ =	shalt  }
0x67: {  	_ =	shalt  }
0x68: {  	_ =	shalt  }
0x69: {  	_ =	shalt  }
0x6a: {  	_ =	shalt  }
0x6b: {  	_ =	shalt  }
0x6c: {  	_ =	shalt  }
0x6d: {  	_ =	shalt  }
0x6e: {  	_ =	shalt  }
0x6f: {  	_ =	shalt  }
0x70: {  	_ =	shalt  }
0x71: {  	_ =	shalt  }
0x72: {  	_ =	shalt  }
0x73: {  	_ =	shalt  }
0x74: {  	_ =	shalt  }
0x75: {  	_ =	shalt  }
0x76: {  	_ =	shalt  }
0x77: {  	_ =	shalt  }
0x78: {  	_ =	shalt  }
0x79: {  	_ =	shalt  }
0x7a: {  	_ =	shalt  }
0x7b: {  	_ =	shalt  }
0x7c: {  	_ =	shalt  }
0x7d: {  	_ =	shalt  }
0x7e: {  	_ =	shalt  }
0x7f: {  	_ =	shalt  }
0x80: {  	_ =	shalt  }
0x81: {  	_ =	shalt  }
0x82: {  	_ =	shalt  }
0x83: {  	_ =	shalt  }
0x84: {  	_ =	shalt  }
0x85: {  	_ =	shalt  }
0x86: {  	_ =	shalt  }
0x87: {  	_ =	shalt  }
.Lfunc_end0:
.L_simem_size_0:
called_computation.3_lowered:
.L_overlay_start_0:
0x88: {  	s2 =	sld [smem:$0x3FD9]  }
0x89: {  	s3 =	sld [smem:$0x3FFE];
	_ =	sdelay $0x1  }
0x8a: {  	s1 =	srdreg.scid  }
0x8b: {  	s0 =	sand.u32 $0x1, s1  }
0x8c: {  	s17 =	sshll.u32 s0, $0xA;
	s2 =	sadd.s32 s3, s2  }
0x8d: {  	s2 =	sadd.s32 s2, s17  }
0x8e: {  	[smem:$0x3F89] =	sst s2  }
0x8f: {  	_ = 	snop  }
0x90: {  	s2 =	sld [smem:$0x3FD0];
	(tm) =	ssettm $0x1  }
0x91: {  	s18 =	sld [smem:$0x3FFB];
	_ =	sdelay $0x3  }
0x92: {  	_ =	strace s18  }
0x93: {  	s3 =	sld [smem:$0x3FFC];
	_ =	sdelay $0x3  }
0x94: {  	_ =	strace s3  }
0x95: {  	s3 =	sld [smem:$0x3FFD];
	_ =	sdelay $0x3  }
0x96: {  	_ =	strace s3  }
0x97: {  	_ =	strace $0x8FFFFFFF  }
0x98: {  	s19 =	sld [smem:$0x3FDB];
	_ =	sdelay $0x1  }
0x99: {  	s4 =	simm.s32 $_scs_section_size  }
0x9a: {  	s5 =	simm.s32 $_size__tile_overlayer_lowered;
	s6 =	simm.s32 $_tile_overlayer_lowered  }
0x9b: {  	s22 =	simm.s32 $0x1BFF;
	s21 =	sshll.u32 s6, $0x1;
	s3 =	sadd.s32 s4, s19  }
0x9c: {  	s7 =	simm.s32 $0x0;
	s20 =	sshll.u32 s5, $0x1;
	s5 =	sadd.s32 s21, s3  }
0x9d: {  	[timem:s7], [sflag:s22] =	dma.local [hbm:s5], s20  }
0x9e: {  	_ =	swait.ge [sflag:s22], s20  }
0x9f: {  	s4 =	ssub.s32 $0x0, s20;
	[sflag:s22] =	ssyncset.done $0x0  }
0xa0: {  	[sflag:s22] =	ssyncadd.s32 s4;
	_ =	sdelay $0x1  }
0xa1: {  	s23 =	simm.s32 $0x1B8B  }
0xa2: {  	_ =	swait.ge [sflag:s23], $0x1  }
0xa3: {  	[sflag:s23] =	ssyncset.done $0x0  }
0xa4: {  	s25 =	simm.s32 $0x1B8E;
	s24 =	sld [smem:$0x3FFE];
	[sflag:s23] =	ssyncadd.s32 $0xFFFFFFFF  }
0xa5: {  	s26 =	simm.s32 $execute0_lowered;
	[smem:$0x3FD2] =	sst s25  }
0xa6: {  	s5 =	sshll.u32 s26, $0x1;
	_ =	strace $0x8000004F;
	[dreg:$0x1] =	wrdreg $0xFFFFFFFF  }
0xa7: {  	s28 =	simm.s32 $_size_execute0_lowered;
	s3 =	sadd.s32 s3, s5;
	[dreg:$0x0] =	wrdreg $0x0  }
0xa8: {  	s5 =	sshll.u32 s28, $0x1;
	[dreg:$0x2] =	wrdreg s3  }
0xa9: {  	[dreg:$0x3] =	wrdreg s5  }
0xaa: {  	[dreg:$0x4] =	wrdreg $0xC0  }
0xab: {  	_ =	task [dreg:s7], $0x5FFFF  }
0xac: {  	[dreg:$0x1] =	wrdreg $0xFFFFFFFF  }
0xad: {  	[dreg:$0x0] =	wrdreg $0x60  }
0xae: {  	[dreg:$0x2] =	wrdreg s24  }
0xaf: {  	[dreg:$0x3] =	wrdreg s2  }
0xb0: {  	[dreg:$0x4] =	wrdreg $0x51000  }
0xb1: {  	[dreg:$0x5] =	wrdreg $0x18D000  }
0xb2: {  	[dreg:$0x6] =	wrdreg $0x9  }
0xb3: {  	_ =	task.clear_ibuf [dreg:s7], $0x7FFFF;
	_ =	strace $0x9000004F  }
0xb4: {  	s29 =	simm.s32 $0x9;
	_ =	strace $0x80000051  }
0xb5: {  	_ =	swait.ge [sflag:s29], $0x1  }
0xb6: {  	[sflag:s29] =	ssyncadd.s32 $0xFFFFFFFF  }
0xb7: {  	_ =	strace $0x90000051  }
0xb8: {  	_ =	sfence  }
0xb9: {  	s30 =	sld [smem:$0x0];
	_ =	sdelay $0x2  }
0xba: {  	s31 =	sshll.u32 s1, $0xD;
	s1 =	sshrl.u32 s1, $0x2  }
0xbb: {  	s3 =	sand.u32 $0x4000, s31;
	s1 =	sadd.s32 s1, s30  }
0xbc: {  	s0 =	sor.u32 s3, s0;
	s1 =	sshll.u32 s1, $0x11  }
0xbd: {  	s0 =	sor.u32 s1, s0  }
0xbe: {  	s0 =	sadd.s32 $0x8F2B, s0  }
0xbf: {  	[sflag:s0] =	ssyncadd.remote.s32 $0x1  }
0xc0: {  	_ =	sfence.sel $0xFFFF  }
0xc1: {  	[dreg:$0x0] =	wrdreg $0xFFFFFFFF;
	(pc) =	sbr.abs _section_cstart, $3  }
0xc2: {  	[dreg:$0x1] =	wrdreg $0xFFFFFFFF  }
0xc3: {  	_ =	task.clear_ibuf [dreg:s7], $0x2FFFF;
	_ =	strace $0x9FFFFFFF  }
0xc4: {  	(tm) =	ssettm $0x7FFFFFFF  }
0xc5: {  	_ =	shalt  }
tec
execute0_lowered:
.L_overlay_start_1:
0x0: {  	(tag) =	ssettag $0x1  }
0x1: {  	s7 =	rddreg [dreg:$0x0]  }
0x2: {  	s1 =	rddreg [dreg:$0x1];
	s0 =	stileid.u32  }
0x3: {  	s2 =	srdreg.scid;
	s3 =	rddreg [dreg:$0x2]  }
0x4: {  	s4 =	rddreg [dreg:$0x3];
	s5 =	simm.s32 $0x0;
	s6 =	smul.u32 $0x4E20, s0  }
0x5: {  	s16 =	simm.s32 $0x2900;
	s17 =	simm.s32 $0x50;
	s10 =	smul.u32 $0x4E200, s0  }
0x6: {  	s18 =	simm.s32 $0x80;
	s8 =	sand.u32 $0x1, s2;
	s29 =	smul.u32 $0x2780, s0  }
0x7: {  	s19 =	simm.s32 $0x0;
	[smem:$0x7FF] =	sst s5;
	s9 =	smul.u32 $0x2710, s8  }
0x8: {  	s2 =	rddreg [dreg:$0x4];
	_ =	strace $0x80000050;
	s26 =	smul.u32 $0x27800, s8  }
0x9: {  	s12 =	ssub.s32 $0x2, s8;
	s14 =	smul.u32 $0x27100, s8;
	s25 =	sadd.s32 s10, s7  }
0xa: {  	s13 =	sshrl.u32 s12, $0x1;
	s6 =	sadd.s32 s9, s6;
	s15 =	sadd.s32 s26, s7  }
0xb: {  	s28 =	ssub.s32 s12, s13;
	s30 =	sadd.s32 s14, s25;
	s14 =	simm.s32 $0x100  }
0xc: {  	s6 =	sshrl.u32 s6, $0x3;
	s8 =	smax.u32 s28, $0x1;
	s9 =	sadd.s32 $0xEEBA00, s30  }
0xd: {  	s10 =	sadd.s32 $0x13CDA00, s30;
	s31 =	sadd.s32 s29, s15;
	s15 =	simm.s32 $0x1  }
0xe: {  	s11 =	sadd.s32 s6, s7;
	s6 =	sadd.s32 $0x45A00, s7;
	s7 =	smul.u32 $0x278, s0  }
0xf: {  	v0 =	vlaneseq.u32;
	s12 =	sadd.s32 $0x95000, s31;
	s13 =	sadd.s32 $0x46000, s31;
	s11 =	sadd.s32 $0x14A00, s11  }
.LBB2_1:
0x10: {  	[tilespmem:s14], [sflag:$0x1] =	stream.linear.gather [hbm4b:s1+s5], $0x2800, $0x38;
	[tilespmem:$0x1B480] =	vst v63  }
0x11: {  	_ =	swait.ge [sflag:s15], $0x2800  }
0x12: {  	[sflag:s15] =	ssyncset.done $0x0  }
0x13: {  	[sflag:s15] =	ssyncadd.s32 $0xFFFFD800  }
0x14: {  	[tilespmem:s16], [sflag:$0x1] =	stream.linear.gather [hbm4b:s6+s5], $0x2800, $0x38;
	[tilespmem:$0x1B480] =	vst v63  }
0x15: {  	_ =	swait.ge [sflag:s15], $0x2800  }
0x16: {  	s20 =	sadd.s32 $0x0, s7;
	[sflag:s15] =	ssyncset.done $0x0  }
0x17: {  	v1 =	vadd.s32 s20, v0;
	s22 =	sadd.s32 $0x40, s20;
	[sflag:s15] =	ssyncadd.s32 $0xFFFFD800  }
0x18: {  	s21 =	sadd.s32 $0x10, s20;
	v2 =	vadd.s32 s22, v0;
	[tilespmem:$0x80] =	vst v1  }
0x19: {  	s31 =	sadd.s32 $0x30, s20;
	v1 =	vadd.s32 s21, v0;
	[tilespmem:$0xC0] =	vst v2  }
0x1a: {  	s20 =	sadd.s32 $0x20, s20;
	[tilespmem:$0x90] =	vst v1;
	v1 =	vadd.s32 s31, v0  }
0x1b: {  	[tilespmem:$0xB0] =	vst v1;
	v1 =	vadd.s32 s20, v0  }
0x1c: {  	[tilespmem:$0xA0] =	vst v1  }
0x1d: {  	[spmem:s3] =	stream.indirect.scatter [tilespmem:s14], [sflag:$0x1], $0x80, s18, s17, $0xb8;
	[tilespmem:$0x1B480] =	vst v63  }
0x1e: {  	_ =	swait.ge [sflag:s15], $0x2800  }
0x1f: {  	[sflag:s15] =	ssyncset.done $0x0  }
0x20: {  	s20 =	simm.s32 $0x50;
	[sflag:s15] =	ssyncadd.s32 $0xFFFFD800  }
.LBB2_2:
0x21: {  	[spmem:s4] =	stream.indirect.scatter [tilespmem:s16], [sflag:$0x1], $0x10, s18, s17, $0xb8;
	[tilespmem:$0x1B480] =	vst v63  }
0x22: {  	s21 =	smov.u32 s20  }
0x23: {  	p0 =	sne.s32 s20, $0x1E0;
	s20 =	sadd.s32 $0x50, s20;
	_ =	swait.ge [sflag:s15], $0x500  }
0x24: {  	s21 =	sadd.s32 s21, s7;
	[sflag:s15] =	ssyncset.done $0x0  }
0x25: {  	v1 =	vadd.s32 s21, v0;
	s22 =	sadd.s32 $0x10, s21;
	s23 =	sadd.s32 $0x20, s21;
	[sflag:s15] =	ssyncadd.s32 $0xFFFFFB00  }
0x26: {  	v2 =	vadd.s32 s23, v0;
	[tilespmem:$0x80] =	vst v1;
	v1 =	vadd.s32 s22, v0;
	s22 =	sadd.s32 $0x30, s21;
	s21 =	sadd.s32 $0x40, s21  }
0x27: {  	[tilespmem:$0x90] =	vst v1;
	v1 =	vadd.s32 s22, v0;
	v3 =	vadd.s32 s21, v0  }
0x28: {  	[tilespmem:$0xB0] =	vst v1  }
0x29: {  	[tilespmem:$0xC0] =	vst v3  }
.Ltmp0:
0x2a: {  	[tilespmem:$0xA0] =	vst v2;
	(pc) =	sbr.rel @p0 .LBB2_2-.Ltmp0, $4  }
0x2b: {  	[spmem:s3] =	stream.indirect.scatter [tilespmem:s14], [sflag:$0x1], $0x80, s18, s17, $0xb8;
	[tilespmem:$0x1B480] =	vst v63  }
0x2c: {  	_ =	swait.ge [sflag:s15], $0x2800  }
0x2d: {  	[sflag:s15] =	ssyncset.done $0x0  }
0x2e: {  	[sflag:s15] =	ssyncadd.s32 $0xFFFFD800  }
0x2f: {  	[spmem:s4] =	stream.indirect.scatter [tilespmem:s16], [sflag:$0x1], $0x10, s18, s17, $0xb8;
	[tilespmem:$0x1B480] =	vst v63  }
0x30: {  	_ =	swait.ge [sflag:s15], $0x500  }
0x31: {  	[sflag:s15] =	ssyncset.done $0x0  }
0x32: {  	[sflag:s15] =	ssyncadd.s32 $0xFFFFFB00  }
0x33: {  	[bflag:$0x0] =	sbarrier.arrive $0xFFFF  }
0x34: {  	[tilespmem:s5], [sflag:$0x1] =	stream.linear.gather [hbm4b:s11+s5], $0x50, $0x38;
	[tilespmem:$0x1B480] =	vst v63  }
0x35: {  	_ =	swait.ge [sflag:s15], $0x50  }
0x36: {  	[sflag:s15] =	ssyncset.done $0x0  }
0x37: {  	s20 =	sadd.s32 $0x0, s9;
	[sflag:s15] =	ssyncadd.s32 $0xFFFFFFB0  }
0x38: {  	[tilespmem:s14], [sflag:$0x1] =	stream.linear.gather [hbm4b:s20+s5], $0x2800, $0x38;
	[tilespmem:$0x1B480] =	vst v63  }
0x39: {  	_ =	swait.ge [sflag:s15], $0x2800  }
0x3a: {  	[sflag:s15] =	ssyncset.done $0x0  }
0x3b: {  	s31 =	sadd.s32 $0x0, s10;
	[sflag:s15] =	ssyncadd.s32 $0xFFFFD800  }
0x3c: {  	[tilespmem:s16], [sflag:$0x1] =	stream.linear.gather [hbm4b:s31+s5], $0x2800, $0x38;
	[tilespmem:$0x1B480] =	vst v63  }
0x3d: {  	_ =	swait.ge [sflag:s15], $0x2800  }
0x3e: {  	[sflag:s15] =	ssyncset.done $0x0  }
0x3f: {  	[sflag:s15] =	ssyncadd.s32 $0xFFFFD800  }
0x40: {  	[spmem:s3] =	stream.indirect.scatter.add.f32 [tilespmem:s14], [sflag:$0x1], $0x80, s5, s17, $0xb8;
	[tilespmem:$0x1B480] =	vst v63  }
0x41: {  	_ =	swait.ge [sflag:s15], $0x2800  }
0x42: {  	[sflag:s15] =	ssyncset.done $0x0  }
0x43: {  	[sflag:s15] =	ssyncadd.s32 $0xFFFFD800  }
0x44: {  	[spmem:s4] =	stream.indirect.scatter.add.f32 [tilespmem:s16], [sflag:$0x1], $0x10, s5, s17, $0xb8;
	[tilespmem:$0x1B480] =	vst v63  }
0x45: {  	_ =	swait.ge [sflag:s15], $0x500  }
0x46: {  	s21 =	smov.u32 s11;
	s20 =	simm.s32 $0x500;
	[sflag:s15] =	ssyncset.done $0x0  }
.LBB2_4:
0x47: {  	p0 =	sne.s32 s20, $0x26C00;
	[sflag:s15] =	ssyncadd.s32 $0xFFFFFB00;
	s21 =	sadd.s32 $0xA, s21  }
0x48: {  	[tilespmem:s5], [sflag:$0x1] =	stream.linear.gather [hbm4b:s21+s5], $0x50, $0x38;
	[tilespmem:$0x1B480] =	vst v63  }
0x49: {  	s22 =	smov.u32 s20;
	s20 =	sadd.s32 $0x500, s20;
	_ =	swait.ge [sflag:s15], $0x50  }
0x4a: {  	[sflag:s15] =	ssyncset.done $0x0  }
0x4b: {  	s23 =	sadd.s32 s22, s9;
	[sflag:s15] =	ssyncadd.s32 $0xFFFFFFB0  }
0x4c: {  	[tilespmem:s14], [sflag:$0x1] =	stream.linear.gather [hbm4b:s23+s5], $0x2800, $0x38;
	[tilespmem:$0x1B480] =	vst v63  }
0x4d: {  	_ =	swait.ge [sflag:s15], $0x2800  }
0x4e: {  	[sflag:s15] =	ssyncset.done $0x0  }
0x4f: {  	s22 =	sadd.s32 s22, s10;
	[sflag:s15] =	ssyncadd.s32 $0xFFFFD800  }
0x50: {  	[tilespmem:s16], [sflag:$0x1] =	stream.linear.gather [hbm4b:s22+s5], $0x2800, $0x38;
	[tilespmem:$0x1B480] =	vst v63  }
0x51: {  	_ =	swait.ge [sflag:s15], $0x2800  }
0x52: {  	[sflag:s15] =	ssyncset.done $0x0  }
0x53: {  	[sflag:s15] =	ssyncadd.s32 $0xFFFFD800  }
0x54: {  	[spmem:s3] =	stream.indirect.scatter.add.f32 [tilespmem:s14], [sflag:$0x1], $0x80, s5, s17, $0xb8;
	[tilespmem:$0x1B480] =	vst v63  }
0x55: {  	_ =	swait.ge [sflag:s15], $0x2800  }
.Ltmp1:
0x56: {  	[sflag:s15] =	ssyncset.done $0x0;
	(pc) =	sbr.rel @p0 .LBB2_4-.Ltmp1, $4  }
0x57: {  	[sflag:s15] =	ssyncadd.s32 $0xFFFFD800  }
0x58: {  	[spmem:s4] =	stream.indirect.scatter.add.f32 [tilespmem:s16], [sflag:$0x1], $0x10, s5, s17, $0xb8;
	[tilespmem:$0x1B480] =	vst v63  }
0x59: {  	_ =	swait.ge [sflag:s15], $0x500  }
0x5a: {  	[sflag:s15] =	ssyncset.done $0x0  }
0x5b: {  	[sflag:s15] =	ssyncadd.s32 $0xFFFFFB00;
	s20 =	sadd.s32 $0x0, s7  }
0x5c: {  	[bflag:$0x0] =	sbarrier.arrive $0xFFFF;
	v1 =	vadd.s32 s20, v0;
	s21 =	sadd.s32 $0x10, s20  }
0x5d: {  	s22 =	sadd.s32 $0x40, s20;
	[tilespmem:$0x80] =	vst v1;
	v1 =	vadd.s32 s21, v0  }
0x5e: {  	s31 =	sadd.s32 $0x30, s20;
	v2 =	vadd.s32 s22, v0;
	[tilespmem:$0x90] =	vst v1  }
0x5f: {  	s20 =	sadd.s32 $0x20, s20;
	v1 =	vadd.s32 s31, v0;
	[tilespmem:$0xC0] =	vst v2  }
0x60: {  	[tilespmem:$0xB0] =	vst v1;
	v1 =	vadd.s32 s20, v0  }
0x61: {  	[tilespmem:$0xA0] =	vst v1  }
0x62: {  	[tilespmem:s14], [sflag:$0x1] =	stream.indirect.gather [spmem:s3], $0x80, s18, s17, $0xb8;
	[tilespmem:$0x1B480] =	vst v63  }
0x63: {  	_ =	swait.ge [sflag:s15], $0x2800  }
0x64: {  	[sflag:s15] =	ssyncset.done $0x0  }
0x65: {  	[sflag:s15] =	ssyncadd.s32 $0xFFFFD800  }
0x66: {  	[hbm4b:s12+s5] =	stream.linear.scatter [tilespmem:s14], [sflag:$0x1], $0x2800, $0x38;
	[tilespmem:$0x1B480] =	vst v63  }
0x67: {  	_ =	swait.ge [sflag:s15], $0x2800  }
0x68: {  	[sflag:s15] =	ssyncset.done $0x0  }
0x69: {  	[sflag:s15] =	ssyncadd.s32 $0xFFFFD800  }
0x6a: {  	[tilespmem:s16], [sflag:$0x1] =	stream.indirect.gather [spmem:s4], $0x10, s18, s17, $0xb8;
	[tilespmem:$0x1B480] =	vst v63  }
0x6b: {  	_ =	swait.ge [sflag:s15], $0x500  }
0x6c: {  	s23 =	smov.u32 s13;
	s21 =	sadd.s32 $0x500, s12;
	[sflag:s15] =	ssyncset.done $0x0  }
0x6d: {  	s22 =	sadd.s32 $0x500, s13;
	s20 =	simm.s32 $0x50;
	[sflag:s15] =	ssyncadd.s32 $0xFFFFFB00  }
.LBB2_6:
0x6e: {  	[hbm4b:s23+s5] =	stream.linear.scatter [tilespmem:s16], [sflag:$0x1], $0x2800, $0x38;
	[tilespmem:$0x1B480] =	vst v63  }
0x6f: {  	s24 =	smov.u32 s20;
	s23 =	smov.u32 s22  }
0x70: {  	p0 =	sne.s32 s20, $0x1E0;
	s20 =	sadd.s32 $0x50, s20;
	_ =	swait.ge [sflag:s15], $0x2800  }
0x71: {  	s24 =	sadd.s32 s24, s7;
	[sflag:s15] =	ssyncset.done $0x0  }
0x72: {  	v1 =	vadd.s32 s24, v0;
	s25 =	sadd.s32 $0x10, s24;
	s26 =	sadd.s32 $0x20, s24;
	[sflag:s15] =	ssyncadd.s32 $0xFFFFD800  }
0x73: {  	v2 =	vadd.s32 s26, v0;
	[tilespmem:$0x80] =	vst v1;
	v1 =	vadd.s32 s25, v0;
	s25 =	sadd.s32 $0x30, s24;
	s24 =	sadd.s32 $0x40, s24  }
0x74: {  	[tilespmem:$0x90] =	vst v1;
	v1 =	vadd.s32 s25, v0;
	v3 =	vadd.s32 s24, v0  }
0x75: {  	[tilespmem:$0xB0] =	vst v1  }
0x76: {  	[tilespmem:$0xC0] =	vst v3  }
0x77: {  	[tilespmem:$0xA0] =	vst v2  }
0x78: {  	[tilespmem:s14], [sflag:$0x1] =	stream.indirect.gather [spmem:s3], $0x80, s18, s17, $0xb8;
	[tilespmem:$0x1B480] =	vst v63  }
0x79: {  	_ =	swait.ge [sflag:s15], $0x2800  }
0x7a: {  	[sflag:s15] =	ssyncset.done $0x0  }
0x7b: {  	[sflag:s15] =	ssyncadd.s32 $0xFFFFD800  }
0x7c: {  	[hbm4b:s21+s5] =	stream.linear.scatter [tilespmem:s14], [sflag:$0x1], $0x2800, $0x38;
	[tilespmem:$0x1B480] =	vst v63  }
0x7d: {  	_ =	swait.ge [sflag:s15], $0x2800  }
0x7e: {  	[sflag:s15] =	ssyncset.done $0x0  }
.Ltmp2:
0x7f: {  	[sflag:s15] =	ssyncadd.s32 $0xFFFFD800;
	(pc) =	sbr.rel @p0 .LBB2_6-.Ltmp2, $4  }
0x80: {  	[tilespmem:s16], [sflag:$0x1] =	stream.indirect.gather [spmem:s4], $0x10, s18, s17, $0xb8;
	[tilespmem:$0x1B480] =	vst v63  }
0x81: {  	_ =	swait.ge [sflag:s15], $0x500  }
0x82: {  	[sflag:s15] =	ssyncset.done $0x0  }
0x83: {  	s22 =	sadd.s32 $0x500, s22;
	s21 =	sadd.s32 $0x500, s21;
	[sflag:s15] =	ssyncadd.s32 $0xFFFFFB00  }
0x84: {  	s19 =	sadd.s32 $0x1, s19  }
0x85: {  	p0 =	sne.s32 s19, s8  }
.Ltmp3:
0x86: {  	_ = 	snop;
	(pc) =	sbr.rel @p0 .LBB2_1-.Ltmp3, $4  }
0x87: {  	[hbm4b:s23+s5] =	stream.linear.scatter [tilespmem:s16], [sflag:$0x1], $0x2800, $0x38;
	[tilespmem:$0x1B480] =	vst v63  }
0x88: {  	_ =	swait.ge [sflag:s15], $0x2800  }
0x89: {  	[sflag:s15] =	ssyncset.done $0x0  }
0x8a: {  	[sflag:s15] =	ssyncadd.s32 $0xFFFFD800  }
0x8b: {  	_ =	sfence.sel $0x180000  }
0x8c: {  	[bflag:$0x0] =	sbarrier.arrive $0xFFFF  }
0x8d: {  	p0 =	sne.s32 s0, $0x0;
	_ =	strace $0x90000050  }
0x8e: {  	s0 =	sadd.s32 @!p0 $0x100000, s2;
	[bflag:$0x2] =	sbarrier.arrive $0xFFFF  }
0x8f: {  	[sflag:s0] =	ssyncadd.tile.s32 @!p0 $0x1;
	_ =	shalt  }
.Lfunc_end2:
_tile_overlayer_lowered:
.L_overlay_start_2:
0x90: {  	(tag) =	ssettag $0x2  }
0x91: {  	s0 =	rddreg [dreg:$0x0];
	s2 =	stileid.u32  }
0x92: {  	s1 =	rddreg [dreg:$0x1];
	p0 =	sne.s32 s2, $0x0  }
0x93: {  	s3 =	rddreg [dreg:$0x2];
	[bflag:$0x3] =	sbarrier.arrive $0xFFFF;
	s2 =	simm.s32 @!p0 $0x1C01  }
0x94: {  	[timem:s3], [sflag:s2] =	dma.local @!p0 [hbm:s0], s1  }
0x95: {  	s0 =	simm.s32 @!p0 $0x1  }
0x96: {  	_ =	swait.ge @!p0 [sflag:s0], s1  }
0x97: {  	s1 =	ssub.s32 @!p0 $0x0, s1;
	[sflag:s0] =	ssyncset.done @!p0 $0x0  }
0x98: {  	[sflag:s0] =	ssyncadd.s32 @!p0 s1  }
0x99: {  	[bflag:$0x3] =	sbarrier.arrive $0xFFFF  }
0x9a: {  	_ =	shalt  }

</sc_bundles>
